<compile_context>
chip_gen: v7x
topology: tpu7x:2x2x1
jax: 0.10.2.dev20260603
libtpu: 0.0.44.dev20260713+nightly
codegen_flags: <defaults>
</compile_context>

<pallas_src>
import functools

import jax
import jax.numpy as jnp
from jax import lax
from jax.experimental import pallas as pl
from jax.experimental.pallas import tpu as pltpu
from jax.experimental.pallas import tpu_sc as plsc

B, R, N, K = 8, 32, 128, 64
ROWS = B * R
NS, L = 16, 16
NW = NS
RPW = ROWS // NW
WPB = R // RPW
EPW = RPW * K
VECS = EPW // L
VPR = K // L

_mesh = plsc.VectorSubcoreMesh(
    core_axis_name="c", subcore_axis_name="s", num_cores=1
)


@functools.partial(
    pl.kernel,
    mesh=_mesh,
    out_type=jax.ShapeDtypeStruct((B, R, K), jnp.float32),
    scratch_types=[
        pltpu.VMEM((RPW * N,), jnp.float32),
        pltpu.VMEM((EPW,), jnp.int32),
        pltpu.VMEM((RPW, K), jnp.float32),
        pltpu.SemaphoreType.DMA,
        pltpu.SemaphoreType.DMA,
        pltpu.SemaphoreType.DMA,
    ],
    compiler_params=pltpu.CompilerParams(needs_layout_passes=False),
)
def _gather_sc(x_hbm, idx_hbm, out_hbm, x_v, idx_v, o_v, sem_x, sem_i, sem_o):
    wid = lax.axis_index("s")
    cp_x = pltpu.async_copy(x_hbm.at[pl.ds(wid * RPW * N, RPW * N)], x_v, sem_x)
    cp_i = pltpu.async_copy(idx_hbm.at[pl.ds(wid * EPW, EPW)], idx_v, sem_i)
    cp_i.wait()
    cp_x.wait()
    b, r0 = wid // WPB, (wid % WPB) * RPW
    half = RPW // 2
    cps = []
    for h in range(2):
        for i in range(h * VECS // 2, (h + 1) * VECS // 2):
            r = i // VPR
            idx = idx_v[pl.ds(i * L, L)] + r * N
            o_v[r, pl.ds((i % VPR) * L, L)] = plsc.load_gather(x_v, [idx])
        cps.append(
            pltpu.async_copy(
                o_v.at[pl.ds(h * half, half), :],
                out_hbm.at[b, pl.ds(r0 + h * half, half), :],
                sem_o,
            )
        )
    for cp in cps:
        cp.wait()


def kernel(x, index, dim):
    del dim
    xf = x.reshape(-1).astype(jnp.float32)
    idxf = index.astype(jnp.int32).reshape(-1)
    out = _gather_sc(xf, idxf)
    return out.astype(x.dtype)

# --- scband reference (transcript-rebuilt; emitter-appended) ---
"""Pipeline reference for scband-model-14448269984254 (READ-ONLY COPY).

The authoritative reference and input builder live on the scoring server;
editing this copy changes nothing except your own understanding.
"""

import jax, jax.numpy as jnp
import numpy as np


def setup_inputs(seed: int = 0) -> dict:
    key = jax.random.key(seed)
    k1, k2 = jax.random.split(key)
    x = jax.random.normal(k1, (8, 32, 128), dtype=jnp.float16)
    index = jax.random.randint(k2, (8, 32, 64), 0, 128, dtype=jnp.int32)
    return {"x": x, "index": index, "dim": 2}


def reference(x, index, dim):
    # Model validates (x_shape, index_shape, dim, dtype) against a fixed scenario
    # table, then performs torch.gather(x, dim, index) along the last dim.
    # jnp.take_along_axis is the exact jax equivalent of torch.gather.
    d = x.ndim - 1
    dim = jnp.asarray(dim, dtype=jnp.int32)
    idx = index.astype(jnp.int32) + (dim - dim)
    return jnp.take_along_axis(x, idx, axis=d)

if __name__ == "__main__":
    import jax
    _d = setup_inputs()
    print(jax.jit(kernel)(*tuple(_d.values())))

</pallas_src>

<mosaic_0001>
#map = affine_map<(d0, d1) -> (0)>
#map1 = affine_map<(d0, d1) -> (0, 0, 0)>
module attributes {stable_mosaic.version = 14 : i64} {
  func.func @_gather_sc(%arg0: i32, %arg1: i32, %arg2: memref<32768xf32, #tpu.memory_space<hbm>>, %arg3: memref<16384xi32, #tpu.memory_space<hbm>>, %arg4: memref<8x32x64xf32, #tpu.memory_space<hbm>>, %arg5: memref<2048xf32, #tpu.memory_space<vmem>>, %arg6: memref<1024xi32, #tpu.memory_space<vmem>>, %arg7: memref<16x64xf32, #tpu.memory_space<vmem>>, %arg8: memref<!tpu.dma_semaphore, #tpu.memory_space<semaphore_mem>>, %arg9: memref<!tpu.dma_semaphore, #tpu.memory_space<semaphore_mem>>, %arg10: memref<!tpu.dma_semaphore, #tpu.memory_space<semaphore_mem>>) attributes {dimension_semantics = [#tpu.dimension_semantics<core_parallel>, #tpu.dimension_semantics<subcore_parallel>], iteration_bounds = array<i64: 1, 16>, scalar_prefetch = 0 : i64, scratch_operands = 6 : i64, tpu.core_type = #tpu.core_type<sc_vector_subcore>, window_params = [{transform_indices = #map}, {transform_indices = #map}, {transform_indices = #map1}]} {
    %mul3A = arith.constant 16 : i32
    %mul3A_0 = arith.muli %arg1, %mul3A : i32
    %mul3A_1 = arith.constant 128 : i32
    %mul3A_2 = arith.muli %mul3A_0, %mul3A_1 : i32
    %dma_start3A = tpu.memref_slice %arg2[%mul3A_2] : memref<32768xf32, #tpu.memory_space<hbm>> -> memref<2048xf32, #tpu.memory_space<hbm>>
    %dma_start3A_3 = tpu.memref_slice %arg2[%mul3A_2] : memref<32768xf32, #tpu.memory_space<hbm>> -> memref<2048xf32, #tpu.memory_space<hbm>>
    tpu.enqueue_dma source(%dma_start3A_3 : memref<2048xf32, #tpu.memory_space<hbm>>) target(%arg5 : memref<2048xf32, #tpu.memory_space<vmem>>) target_semaphore(%arg8 : memref<!tpu.dma_semaphore, #tpu.memory_space<semaphore_mem>>)
    %mul3A_4 = arith.constant 1024 : i32
    %mul3A_5 = arith.muli %arg1, %mul3A_4 : i32
    %dma_start3A_6 = tpu.memref_slice %arg3[%mul3A_5] : memref<16384xi32, #tpu.memory_space<hbm>> -> memref<1024xi32, #tpu.memory_space<hbm>>
    %dma_start3A_7 = tpu.memref_slice %arg3[%mul3A_5] : memref<16384xi32, #tpu.memory_space<hbm>> -> memref<1024xi32, #tpu.memory_space<hbm>>
    tpu.enqueue_dma source(%dma_start3A_7 : memref<1024xi32, #tpu.memory_space<hbm>>) target(%arg6 : memref<1024xi32, #tpu.memory_space<vmem>>) target_semaphore(%arg9 : memref<!tpu.dma_semaphore, #tpu.memory_space<semaphore_mem>>)
    %dma_wait3A = tpu.memref_slice %arg3[%mul3A_5] : memref<16384xi32, #tpu.memory_space<hbm>> -> memref<1024xi32, #tpu.memory_space<hbm>>
    %dma_wait3A_8 = tpu.memref_slice %arg3[%mul3A_5] : memref<16384xi32, #tpu.memory_space<hbm>> -> memref<1024xi32, #tpu.memory_space<hbm>>
    tpu.wait_dma2 semaphore(%arg9 : memref<!tpu.dma_semaphore, #tpu.memory_space<semaphore_mem>>) src(%dma_wait3A_8 : memref<1024xi32, #tpu.memory_space<hbm>>) dst(%arg6 : memref<1024xi32, #tpu.memory_space<vmem>>)
    %dma_wait3A_9 = tpu.memref_slice %arg2[%mul3A_2] : memref<32768xf32, #tpu.memory_space<hbm>> -> memref<2048xf32, #tpu.memory_space<hbm>>
    %dma_wait3A_10 = tpu.memref_slice %arg2[%mul3A_2] : memref<32768xf32, #tpu.memory_space<hbm>> -> memref<2048xf32, #tpu.memory_space<hbm>>
    tpu.wait_dma2 semaphore(%arg8 : memref<!tpu.dma_semaphore, #tpu.memory_space<semaphore_mem>>) src(%dma_wait3A_10 : memref<2048xf32, #tpu.memory_space<hbm>>) dst(%arg5 : memref<2048xf32, #tpu.memory_space<vmem>>)
    %jit3A = arith.constant 2 : i32
    %div3A = arith.divsi %arg1, %jit3A : i32
    %sign3A = arith.constant 0 : i32
    %sign3A_11 = arith.cmpi sgt, %arg1, %sign3A : i32
    %sign3A_12 = arith.extui %sign3A_11 : i1 to i32
    %sign3A_13 = arith.constant 0 : i32
    %sign3A_14 = arith.cmpi slt, %arg1, %sign3A_13 : i32
    %sign3A_15 = arith.extui %sign3A_14 : i1 to i32
    %sign3A_16 = arith.subi %sign3A_12, %sign3A_15 : i32
    %sign3A_17 = arith.constant 0 : i32
    %sign3A_18 = arith.cmpi sgt, %jit3A, %sign3A_17 : i32
    %sign3A_19 = arith.extui %sign3A_18 : i1 to i32
    %sign3A_20 = arith.constant 0 : i32
    %sign3A_21 = arith.cmpi slt, %jit3A, %sign3A_20 : i32
    %sign3A_22 = arith.extui %sign3A_21 : i1 to i32
    %sign3A_23 = arith.subi %sign3A_19, %sign3A_22 : i32
    %ne3A = arith.cmpi ne, %sign3A_16, %sign3A_23 : i32
    %rem3A = arith.remsi %arg1, %jit3A : i32
    %ne3A_24 = arith.constant 0 : i32
    %ne3A_25 = arith.cmpi ne, %rem3A, %ne3A_24 : i32
    %and3A = arith.andi %ne3A, %ne3A_25 : i1
    %sub3A = arith.constant 1 : i32
    %sub3A_26 = arith.subi %div3A, %sub3A : i32
    %select_n3A = arith.select %and3A, %sub3A_26, %div3A : i32
    %jit3A_27 = arith.constant 2 : i32
    %eq3A = arith.constant 0 : i32
    %eq3A_28 = arith.cmpi eq, %jit3A_27, %eq3A : i32
    %jit3A_29 = arith.constant 1 : i32
    %select_n3A_30 = arith.select %eq3A_28, %jit3A_29, %jit3A_27 : i32
    %rem3A_31 = arith.remsi %arg1, %select_n3A_30 : i32
    %ne3A_32 = arith.constant 0 : i32
    %ne3A_33 = arith.cmpi ne, %rem3A_31, %ne3A_32 : i32
    %lt3A = arith.constant 0 : i32
    %lt3A_34 = arith.cmpi slt, %rem3A_31, %lt3A : i32
    %lt3A_35 = arith.constant 0 : i32
    %lt3A_36 = arith.cmpi slt, %select_n3A_30, %lt3A_35 : i32
    %ne3A_37 = arith.xori %lt3A_34, %lt3A_36 : i1
    %and3A_38 = arith.andi %ne3A_37, %ne3A_33 : i1
    %add3A = arith.addi %rem3A_31, %select_n3A_30 : i32
    %select_n3A_39 = arith.select %and3A_38, %add3A, %rem3A_31 : i32
    %mul3A_40 = arith.constant 16 : i32
    %mul3A_41 = arith.muli %select_n3A_39, %mul3A_40 : i32
    %get3A = arith.constant 0 : index
    %get3A_42 = tpu.vector_load %arg6[%get3A] {strides = array<i32>} : memref<1024xi32, #tpu.memory_space<vmem>>, vector<16xi32>,
    %add3A_43 = arith.constant 0 : i32
    %add3A_44 = vector.broadcast %add3A_43 : i32 to vector<16xi32>
    %add3A_45 = arith.addi %get3A_42, %add3A_44 : vector<16xi32>
    %gather3A = tpu.vector_load_idx %arg5[%add3A_45] : memref<2048xf32, #tpu.memory_space<vmem>>[vector<16xi32>], vector<16xf32>,
    %swap3A = arith.constant 0 : i32
    %swap3A_46 = arith.index_cast %swap3A : i32 to index
    %swap3A_47 = arith.constant 0 : index
    %swap3A_48 = tpu.vector_load %arg7[%swap3A_46, %swap3A_47] {strides = array<i32>} : memref<16x64xf32, #tpu.memory_space<vmem>>, vector<16xf32>,
    tpu.vector_store %arg7[%swap3A_46, %swap3A_47], %gather3A {strides = array<i32>} : memref<16x64xf32, #tpu.memory_space<vmem>>, vector<16xf32>,
    %get3A_49 = arith.constant 16 : index
    %get3A_50 = tpu.vector_load %arg6[%get3A_49] {strides = array<i32>} : memref<1024xi32, #tpu.memory_space<vmem>>, vector<16xi32>,
    %add3A_51 = arith.constant 0 : i32
    %add3A_52 = vector.broadcast %add3A_51 : i32 to vector<16xi32>
    %add3A_53 = arith.addi %get3A_50, %add3A_52 : vector<16xi32>
    %gather3A_54 = tpu.vector_load_idx %arg5[%add3A_53] : memref<2048xf32, #tpu.memory_space<vmem>>[vector<16xi32>], vector<16xf32>,
    %swap3A_55 = arith.constant 0 : i32
    %swap3A_56 = arith.index_cast %swap3A_55 : i32 to index
    %swap3A_57 = arith.constant 16 : index
    %swap3A_58 = tpu.vector_load %arg7[%swap3A_56, %swap3A_57] {strides = array<i32>} : memref<16x64xf32, #tpu.memory_space<vmem>>, vector<16xf32>,
    tpu.vector_store %arg7[%swap3A_56, %swap3A_57], %gather3A_54 {strides = array<i32>} : memref<16x64xf32, #tpu.memory_space<vmem>>, vector<16xf32>,
    %get3A_59 = arith.constant 32 : index
    %get3A_60 = tpu.vector_load %arg6[%get3A_59] {strides = array<i32>} : memref<1024xi32, #tpu.memory_space<vmem>>, vector<16xi32>,
    %add3A_61 = arith.constant 0 : i32
    %add3A_62 = vector.broadcast %add3A_61 : i32 to vector<16xi32>
    %add3A_63 = arith.addi %get3A_60, %add3A_62 : vector<16xi32>
    %gather3A_64 = tpu.vector_load_idx %arg5[%add3A_63] : memref<2048xf32, #tpu.memory_space<vmem>>[vector<16xi32>], vector<16xf32>,
    %swap3A_65 = arith.constant 0 : i32
    %swap3A_66 = arith.index_cast %swap3A_65 : i32 to index
    %swap3A_67 = arith.constant 32 : index
    %swap3A_68 = tpu.vector_load %arg7[%swap3A_66, %swap3A_67] {strides = array<i32>} : memref<16x64xf32, #tpu.memory_space<vmem>>, vector<16xf32>,
    tpu.vector_store %arg7[%swap3A_66, %swap3A_67], %gather3A_64 {strides = array<i32>} : memref<16x64xf32, #tpu.memory_space<vmem>>, vector<16xf32>,
    %get3A_69 = arith.constant 48 : index
    %get3A_70 = tpu.vector_load %arg6[%get3A_69] {strides = array<i32>} : memref<1024xi32, #tpu.memory_space<vmem>>, vector<16xi32>,
    %add3A_71 = arith.constant 0 : i32
    %add3A_72 = vector.broadcast %add3A_71 : i32 to vector<16xi32>
    %add3A_73 = arith.addi %get3A_70, %add3A_72 : vector<16xi32>
    %gather3A_74 = tpu.vector_load_idx %arg5[%add3A_73] : memref<2048xf32, #tpu.memory_space<vmem>>[vector<16xi32>], vector<16xf32>,
    %swap3A_75 = arith.constant 0 : i32
    %swap3A_76 = arith.index_cast %swap3A_75 : i32 to index
    %swap3A_77 = arith.constant 48 : index
    %swap3A_78 = tpu.vector_load %arg7[%swap3A_76, %swap3A_77] {strides = array<i32>} : memref<16x64xf32, #tpu.memory_space<vmem>>, vector<16xf32>,
    tpu.vector_store %arg7[%swap3A_76, %swap3A_77], %gather3A_74 {strides = array<i32>} : memref<16x64xf32, #tpu.memory_space<vmem>>, vector<16xf32>,
    %get3A_79 = arith.constant 64 : index
    %get3A_80 = tpu.vector_load %arg6[%get3A_79] {strides = array<i32>} : memref<1024xi32, #tpu.memory_space<vmem>>, vector<16xi32>,
    %add3A_81 = arith.constant 128 : i32
    %add3A_82 = vector.broadcast %add3A_81 : i32 to vector<16xi32>
    %add3A_83 = arith.addi %get3A_80, %add3A_82 : vector<16xi32>
    %gather3A_84 = tpu.vector_load_idx %arg5[%add3A_83] : memref<2048xf32, #tpu.memory_space<vmem>>[vector<16xi32>], vector<16xf32>,
    %swap3A_85 = arith.constant 1 : i32
    %swap3A_86 = arith.index_cast %swap3A_85 : i32 to index
    %swap3A_87 = arith.constant 0 : index
    %swap3A_88 = tpu.vector_load %arg7[%swap3A_86, %swap3A_87] {strides = array<i32>} : memref<16x64xf32, #tpu.memory_space<vmem>>, vector<16xf32>,
    tpu.vector_store %arg7[%swap3A_86, %swap3A_87], %gather3A_84 {strides = array<i32>} : memref<16x64xf32, #tpu.memory_space<vmem>>, vector<16xf32>,
    %get3A_89 = arith.constant 80 : index
    %get3A_90 = tpu.vector_load %arg6[%get3A_89] {strides = array<i32>} : memref<1024xi32, #tpu.memory_space<vmem>>, vector<16xi32>,
    %add3A_91 = arith.constant 128 : i32
    %add3A_92 = vector.broadcast %add3A_91 : i32 to vector<16xi32>
    %add3A_93 = arith.addi %get3A_90, %add3A_92 : vector<16xi32>
    %gather3A_94 = tpu.vector_load_idx %arg5[%add3A_93] : memref<2048xf32, #tpu.memory_space<vmem>>[vector<16xi32>], vector<16xf32>,
    %swap3A_95 = arith.constant 1 : i32
    %swap3A_96 = arith.index_cast %swap3A_95 : i32 to index
    %swap3A_97 = arith.constant 16 : index
    %swap3A_98 = tpu.vector_load %arg7[%swap3A_96, %swap3A_97] {strides = array<i32>} : memref<16x64xf32, #tpu.memory_space<vmem>>, vector<16xf32>,
    tpu.vector_store %arg7[%swap3A_96, %swap3A_97], %gather3A_94 {strides = array<i32>} : memref<16x64xf32, #tpu.memory_space<vmem>>, vector<16xf32>,
    %get3A_99 = arith.constant 96 : index
    %get3A_100 = tpu.vector_load %arg6[%get3A_99] {strides = array<i32>} : memref<1024xi32, #tpu.memory_space<vmem>>, vector<16xi32>,
    %add3A_101 = arith.constant 128 : i32
    %add3A_102 = vector.broadcast %add3A_101 : i32 to vector<16xi32>
    %add3A_103 = arith.addi %get3A_100, %add3A_102 : vector<16xi32>
    %gather3A_104 = tpu.vector_load_idx %arg5[%add3A_103] : memref<2048xf32, #tpu.memory_space<vmem>>[vector<16xi32>], vector<16xf32>,
    %swap3A_105 = arith.constant 1 : i32
    %swap3A_106 = arith.index_cast %swap3A_105 : i32 to index
    %swap3A_107 = arith.constant 32 : index
    %swap3A_108 = tpu.vector_load %arg7[%swap3A_106, %swap3A_107] {strides = array<i32>} : memref<16x64xf32, #tpu.memory_space<vmem>>, vector<16xf32>,
    tpu.vector_store %arg7[%swap3A_106, %swap3A_107], %gather3A_104 {strides = array<i32>} : memref<16x64xf32, #tpu.memory_space<vmem>>, vector<16xf32>,
    %get3A_109 = arith.constant 112 : index
    %get3A_110 = tpu.vector_load %arg6[%get3A_109] {strides = array<i32>} : memref<1024xi32, #tpu.memory_space<vmem>>, vector<16xi32>,
    %add3A_111 = arith.constant 128 : i32
    %add3A_112 = vector.broadcast %add3A_111 : i32 to vector<16xi32>
    %add3A_113 = arith.addi %get3A_110, %add3A_112 : vector<16xi32>
    %gather3A_114 = tpu.vector_load_idx %arg5[%add3A_113] : memref<2048xf32, #tpu.memory_space<vmem>>[vector<16xi32>], vector<16xf32>,
    %swap3A_115 = arith.constant 1 : i32
    %swap3A_116 = arith.index_cast %swap3A_115 : i32 to index
    %swap3A_117 = arith.constant 48 : index
    %swap3A_118 = tpu.vector_load %arg7[%swap3A_116, %swap3A_117] {strides = array<i32>} : memref<16x64xf32, #tpu.memory_space<vmem>>, vector<16xf32>,
    tpu.vector_store %arg7[%swap3A_116, %swap3A_117], %gather3A_114 {strides = array<i32>} : memref<16x64xf32, #tpu.memory_space<vmem>>, vector<16xf32>,
    %get3A_119 = arith.constant 128 : index
    %get3A_120 = tpu.vector_load %arg6[%get3A_119] {strides = array<i32>} : memref<1024xi32, #tpu.memory_space<vmem>>, vector<16xi32>,
    %add3A_121 = arith.constant 256 : i32
    %add3A_122 = vector.broadcast %add3A_121 : i32 to vector<16xi32>
    %add3A_123 = arith.addi %get3A_120, %add3A_122 : vector<16xi32>
    %gather3A_124 = tpu.vector_load_idx %arg5[%add3A_123] : memref<2048xf32, #tpu.memory_space<vmem>>[vector<16xi32>], vector<16xf32>,
    %swap3A_125 = arith.constant 2 : i32
    %swap3A_126 = arith.index_cast %swap3A_125 : i32 to index
    %swap3A_127 = arith.constant 0 : index
    %swap3A_128 = tpu.vector_load %arg7[%swap3A_126, %swap3A_127] {strides = array<i32>} : memref<16x64xf32, #tpu.memory_space<vmem>>, vector<16xf32>,
    tpu.vector_store %arg7[%swap3A_126, %swap3A_127], %gather3A_124 {strides = array<i32>} : memref<16x64xf32, #tpu.memory_space<vmem>>, vector<16xf32>,
    %get3A_129 = arith.constant 144 : index
    %get3A_130 = tpu.vector_load %arg6[%get3A_129] {strides = array<i32>} : memref<1024xi32, #tpu.memory_space<vmem>>, vector<16xi32>,
    %add3A_131 = arith.constant 256 : i32
    %add3A_132 = vector.broadcast %add3A_131 : i32 to vector<16xi32>
    %add3A_133 = arith.addi %get3A_130, %add3A_132 : vector<16xi32>
    %gather3A_134 = tpu.vector_load_idx %arg5[%add3A_133] : memref<2048xf32, #tpu.memory_space<vmem>>[vector<16xi32>], vector<16xf32>,
    %swap3A_135 = arith.constant 2 : i32
    %swap3A_136 = arith.index_cast %swap3A_135 : i32 to index
    %swap3A_137 = arith.constant 16 : index
    %swap3A_138 = tpu.vector_load %arg7[%swap3A_136, %swap3A_137] {strides = array<i32>} : memref<16x64xf32, #tpu.memory_space<vmem>>, vector<16xf32>,
    tpu.vector_store %arg7[%swap3A_136, %swap3A_137], %gather3A_134 {strides = array<i32>} : memref<16x64xf32, #tpu.memory_space<vmem>>, vector<16xf32>,
    %get3A_139 = arith.constant 160 : index
    %get3A_140 = tpu.vector_load %arg6[%get3A_139] {strides = array<i32>} : memref<1024xi32, #tpu.memory_space<vmem>>, vector<16xi32>,
    %add3A_141 = arith.constant 256 : i32
    %add3A_142 = vector.broadcast %add3A_141 : i32 to vector<16xi32>
    %add3A_143 = arith.addi %get3A_140, %add3A_142 : vector<16xi32>
    %gather3A_144 = tpu.vector_load_idx %arg5[%add3A_143] : memref<2048xf32, #tpu.memory_space<vmem>>[vector<16xi32>], vector<16xf32>,
    %swap3A_145 = arith.constant 2 : i32
    %swap3A_146 = arith.index_cast %swap3A_145 : i32 to index
    %swap3A_147 = arith.constant 32 : index
    %swap3A_148 = tpu.vector_load %arg7[%swap3A_146, %swap3A_147] {strides = array<i32>} : memref<16x64xf32, #tpu.memory_space<vmem>>, vector<16xf32>,
    tpu.vector_store %arg7[%swap3A_146, %swap3A_147], %gather3A_144 {strides = array<i32>} : memref<16x64xf32, #tpu.memory_space<vmem>>, vector<16xf32>,
    %get3A_149 = arith.constant 176 : index
    %get3A_150 = tpu.vector_load %arg6[%get3A_149] {strides = array<i32>} : memref<1024xi32, #tpu.memory_space<vmem>>, vector<16xi32>,
    %add3A_151 = arith.constant 256 : i32
    %add3A_152 = vector.broadcast %add3A_151 : i32 to vector<16xi32>
    %add3A_153 = arith.addi %get3A_150, %add3A_152 : vector<16xi32>
    %gather3A_154 = tpu.vector_load_idx %arg5[%add3A_153] : memref<2048xf32, #tpu.memory_space<vmem>>[vector<16xi32>], vector<16xf32>,
    %swap3A_155 = arith.constant 2 : i32
    %swap3A_156 = arith.index_cast %swap3A_155 : i32 to index
    %swap3A_157 = arith.constant 48 : index
    %swap3A_158 = tpu.vector_load %arg7[%swap3A_156, %swap3A_157] {strides = array<i32>} : memref<16x64xf32, #tpu.memory_space<vmem>>, vector<16xf32>,
    tpu.vector_store %arg7[%swap3A_156, %swap3A_157], %gather3A_154 {strides = array<i32>} : memref<16x64xf32, #tpu.memory_space<vmem>>, vector<16xf32>,
    %get3A_159 = arith.constant 192 : index
    %get3A_160 = tpu.vector_load %arg6[%get3A_159] {strides = array<i32>} : memref<1024xi32, #tpu.memory_space<vmem>>, vector<16xi32>,
    %add3A_161 = arith.constant 384 : i32
    %add3A_162 = vector.broadcast %add3A_161 : i32 to vector<16xi32>
    %add3A_163 = arith.addi %get3A_160, %add3A_162 : vector<16xi32>
    %gather3A_164 = tpu.vector_load_idx %arg5[%add3A_163] : memref<2048xf32, #tpu.memory_space<vmem>>[vector<16xi32>], vector<16xf32>,
    %swap3A_165 = arith.constant 3 : i32
    %swap3A_166 = arith.index_cast %swap3A_165 : i32 to index
    %swap3A_167 = arith.constant 0 : index
    %swap3A_168 = tpu.vector_load %arg7[%swap3A_166, %swap3A_167] {strides = array<i32>} : memref<16x64xf32, #tpu.memory_space<vmem>>, vector<16xf32>,
    tpu.vector_store %arg7[%swap3A_166, %swap3A_167], %gather3A_164 {strides = array<i32>} : memref<16x64xf32, #tpu.memory_space<vmem>>, vector<16xf32>,
    %get3A_169 = arith.constant 208 : index
    %get3A_170 = tpu.vector_load %arg6[%get3A_169] {strides = array<i32>} : memref<1024xi32, #tpu.memory_space<vmem>>, vector<16xi32>,
    %add3A_171 = arith.constant 384 : i32
    %add3A_172 = vector.broadcast %add3A_171 : i32 to vector<16xi32>
    %add3A_173 = arith.addi %get3A_170, %add3A_172 : vector<16xi32>
    %gather3A_174 = tpu.vector_load_idx %arg5[%add3A_173] : memref<2048xf32, #tpu.memory_space<vmem>>[vector<16xi32>], vector<16xf32>,
    %swap3A_175 = arith.constant 3 : i32
    %swap3A_176 = arith.index_cast %swap3A_175 : i32 to index
    %swap3A_177 = arith.constant 16 : index
    %swap3A_178 = tpu.vector_load %arg7[%swap3A_176, %swap3A_177] {strides = array<i32>} : memref<16x64xf32, #tpu.memory_space<vmem>>, vector<16xf32>,
    tpu.vector_store %arg7[%swap3A_176, %swap3A_177], %gather3A_174 {strides = array<i32>} : memref<16x64xf32, #tpu.memory_space<vmem>>, vector<16xf32>,
    %get3A_179 = arith.constant 224 : index
    %get3A_180 = tpu.vector_load %arg6[%get3A_179] {strides = array<i32>} : memref<1024xi32, #tpu.memory_space<vmem>>, vector<16xi32>,
    %add3A_181 = arith.constant 384 : i32
    %add3A_182 = vector.broadcast %add3A_181 : i32 to vector<16xi32>
    %add3A_183 = arith.addi %get3A_180, %add3A_182 : vector<16xi32>
    %gather3A_184 = tpu.vector_load_idx %arg5[%add3A_183] : memref<2048xf32, #tpu.memory_space<vmem>>[vector<16xi32>], vector<16xf32>,
    %swap3A_185 = arith.constant 3 : i32
    %swap3A_186 = arith.index_cast %swap3A_185 : i32 to index
    %swap3A_187 = arith.constant 32 : index
    %swap3A_188 = tpu.vector_load %arg7[%swap3A_186, %swap3A_187] {strides = array<i32>} : memref<16x64xf32, #tpu.memory_space<vmem>>, vector<16xf32>,
    tpu.vector_store %arg7[%swap3A_186, %swap3A_187], %gather3A_184 {strides = array<i32>} : memref<16x64xf32, #tpu.memory_space<vmem>>, vector<16xf32>,
    %get3A_189 = arith.constant 240 : index
    %get3A_190 = tpu.vector_load %arg6[%get3A_189] {strides = array<i32>} : memref<1024xi32, #tpu.memory_space<vmem>>, vector<16xi32>,
    %add3A_191 = arith.constant 384 : i32
    %add3A_192 = vector.broadcast %add3A_191 : i32 to vector<16xi32>
    %add3A_193 = arith.addi %get3A_190, %add3A_192 : vector<16xi32>
    %gather3A_194 = tpu.vector_load_idx %arg5[%add3A_193] : memref<2048xf32, #tpu.memory_space<vmem>>[vector<16xi32>], vector<16xf32>,
    %swap3A_195 = arith.constant 3 : i32
    %swap3A_196 = arith.index_cast %swap3A_195 : i32 to index
    %swap3A_197 = arith.constant 48 : index
    %swap3A_198 = tpu.vector_load %arg7[%swap3A_196, %swap3A_197] {strides = array<i32>} : memref<16x64xf32, #tpu.memory_space<vmem>>, vector<16xf32>,
    tpu.vector_store %arg7[%swap3A_196, %swap3A_197], %gather3A_194 {strides = array<i32>} : memref<16x64xf32, #tpu.memory_space<vmem>>, vector<16xf32>,
    %get3A_199 = arith.constant 256 : index
    %get3A_200 = tpu.vector_load %arg6[%get3A_199] {strides = array<i32>} : memref<1024xi32, #tpu.memory_space<vmem>>, vector<16xi32>,
    %add3A_201 = arith.constant 512 : i32
    %add3A_202 = vector.broadcast %add3A_201 : i32 to vector<16xi32>
    %add3A_203 = arith.addi %get3A_200, %add3A_202 : vector<16xi32>
    %gather3A_204 = tpu.vector_load_idx %arg5[%add3A_203] : memref<2048xf32, #tpu.memory_space<vmem>>[vector<16xi32>], vector<16xf32>,
    %swap3A_205 = arith.constant 4 : i32
    %swap3A_206 = arith.index_cast %swap3A_205 : i32 to index
    %swap3A_207 = arith.constant 0 : index
    %swap3A_208 = tpu.vector_load %arg7[%swap3A_206, %swap3A_207] {strides = array<i32>} : memref<16x64xf32, #tpu.memory_space<vmem>>, vector<16xf32>,
    tpu.vector_store %arg7[%swap3A_206, %swap3A_207], %gather3A_204 {strides = array<i32>} : memref<16x64xf32, #tpu.memory_space<vmem>>, vector<16xf32>,
    %get3A_209 = arith.constant 272 : index
    %get3A_210 = tpu.vector_load %arg6[%get3A_209] {strides = array<i32>} : memref<1024xi32, #tpu.memory_space<vmem>>, vector<16xi32>,
    %add3A_211 = arith.constant 512 : i32
    %add3A_212 = vector.broadcast %add3A_211 : i32 to vector<16xi32>
    %add3A_213 = arith.addi %get3A_210, %add3A_212 : vector<16xi32>
    %gather3A_214 = tpu.vector_load_idx %arg5[%add3A_213] : memref<2048xf32, #tpu.memory_space<vmem>>[vector<16xi32>], vector<16xf32>,
    %swap3A_215 = arith.constant 4 : i32
    %swap3A_216 = arith.index_cast %swap3A_215 : i32 to index
    %swap3A_217 = arith.constant 16 : index
    %swap3A_218 = tpu.vector_load %arg7[%swap3A_216, %swap3A_217] {strides = array<i32>} : memref<16x64xf32, #tpu.memory_space<vmem>>, vector<16xf32>,
    tpu.vector_store %arg7[%swap3A_216, %swap3A_217], %gather3A_214 {strides = array<i32>} : memref<16x64xf32, #tpu.memory_space<vmem>>, vector<16xf32>,
    %get3A_219 = arith.constant 288 : index
    %get3A_220 = tpu.vector_load %arg6[%get3A_219] {strides = array<i32>} : memref<1024xi32, #tpu.memory_space<vmem>>, vector<16xi32>,
    %add3A_221 = arith.constant 512 : i32
    %add3A_222 = vector.broadcast %add3A_221 : i32 to vector<16xi32>
    %add3A_223 = arith.addi %get3A_220, %add3A_222 : vector<16xi32>
    %gather3A_224 = tpu.vector_load_idx %arg5[%add3A_223] : memref<2048xf32, #tpu.memory_space<vmem>>[vector<16xi32>], vector<16xf32>,
    %swap3A_225 = arith.constant 4 : i32
    %swap3A_226 = arith.index_cast %swap3A_225 : i32 to index
    %swap3A_227 = arith.constant 32 : index
    %swap3A_228 = tpu.vector_load %arg7[%swap3A_226, %swap3A_227] {strides = array<i32>} : memref<16x64xf32, #tpu.memory_space<vmem>>, vector<16xf32>,
    tpu.vector_store %arg7[%swap3A_226, %swap3A_227], %gather3A_224 {strides = array<i32>} : memref<16x64xf32, #tpu.memory_space<vmem>>, vector<16xf32>,
    %get3A_229 = arith.constant 304 : index
    %get3A_230 = tpu.vector_load %arg6[%get3A_229] {strides = array<i32>} : memref<1024xi32, #tpu.memory_space<vmem>>, vector<16xi32>,
    %add3A_231 = arith.constant 512 : i32
    %add3A_232 = vector.broadcast %add3A_231 : i32 to vector<16xi32>
    %add3A_233 = arith.addi %get3A_230, %add3A_232 : vector<16xi32>
    %gather3A_234 = tpu.vector_load_idx %arg5[%add3A_233] : memref<2048xf32, #tpu.memory_space<vmem>>[vector<16xi32>], vector<16xf32>,
    %swap3A_235 = arith.constant 4 : i32
    %swap3A_236 = arith.index_cast %swap3A_235 : i32 to index
    %swap3A_237 = arith.constant 48 : index
    %swap3A_238 = tpu.vector_load %arg7[%swap3A_236, %swap3A_237] {strides = array<i32>} : memref<16x64xf32, #tpu.memory_space<vmem>>, vector<16xf32>,
    tpu.vector_store %arg7[%swap3A_236, %swap3A_237], %gather3A_234 {strides = array<i32>} : memref<16x64xf32, #tpu.memory_space<vmem>>, vector<16xf32>,
    %get3A_239 = arith.constant 320 : index
    %get3A_240 = tpu.vector_load %arg6[%get3A_239] {strides = array<i32>} : memref<1024xi32, #tpu.memory_space<vmem>>, vector<16xi32>,
    %add3A_241 = arith.constant 640 : i32
    %add3A_242 = vector.broadcast %add3A_241 : i32 to vector<16xi32>
    %add3A_243 = arith.addi %get3A_240, %add3A_242 : vector<16xi32>
    %gather3A_244 = tpu.vector_load_idx %arg5[%add3A_243] : memref<2048xf32, #tpu.memory_space<vmem>>[vector<16xi32>], vector<16xf32>,
    %swap3A_245 = arith.constant 5 : i32
    %swap3A_246 = arith.index_cast %swap3A_245 : i32 to index
    %swap3A_247 = arith.constant 0 : index
    %swap3A_248 = tpu.vector_load %arg7[%swap3A_246, %swap3A_247] {strides = array<i32>} : memref<16x64xf32, #tpu.memory_space<vmem>>, vector<16xf32>,
    tpu.vector_store %arg7[%swap3A_246, %swap3A_247], %gather3A_244 {strides = array<i32>} : memref<16x64xf32, #tpu.memory_space<vmem>>, vector<16xf32>,
    %get3A_249 = arith.constant 336 : index
    %get3A_250 = tpu.vector_load %arg6[%get3A_249] {strides = array<i32>} : memref<1024xi32, #tpu.memory_space<vmem>>, vector<16xi32>,
    %add3A_251 = arith.constant 640 : i32
    %add3A_252 = vector.broadcast %add3A_251 : i32 to vector<16xi32>
    %add3A_253 = arith.addi %get3A_250, %add3A_252 : vector<16xi32>
    %gather3A_254 = tpu.vector_load_idx %arg5[%add3A_253] : memref<2048xf32, #tpu.memory_space<vmem>>[vector<16xi32>], vector<16xf32>,
    %swap3A_255 = arith.constant 5 : i32
    %swap3A_256 = arith.index_cast %swap3A_255 : i32 to index
    %swap3A_257 = arith.constant 16 : index
    %swap3A_258 = tpu.vector_load %arg7[%swap3A_256, %swap3A_257] {strides = array<i32>} : memref<16x64xf32, #tpu.memory_space<vmem>>, vector<16xf32>,
    tpu.vector_store %arg7[%swap3A_256, %swap3A_257], %gather3A_254 {strides = array<i32>} : memref<16x64xf32, #tpu.memory_space<vmem>>, vector<16xf32>,
    %get3A_259 = arith.constant 352 : index
    %get3A_260 = tpu.vector_load %arg6[%get3A_259] {strides = array<i32>} : memref<1024xi32, #tpu.memory_space<vmem>>, vector<16xi32>,
    %add3A_261 = arith.constant 640 : i32
    %add3A_262 = vector.broadcast %add3A_261 : i32 to vector<16xi32>
    %add3A_263 = arith.addi %get3A_260, %add3A_262 : vector<16xi32>
    %gather3A_264 = tpu.vector_load_idx %arg5[%add3A_263] : memref<2048xf32, #tpu.memory_space<vmem>>[vector<16xi32>], vector<16xf32>,
    %swap3A_265 = arith.constant 5 : i32
    %swap3A_266 = arith.index_cast %swap3A_265 : i32 to index
    %swap3A_267 = arith.constant 32 : index
    %swap3A_268 = tpu.vector_load %arg7[%swap3A_266, %swap3A_267] {strides = array<i32>} : memref<16x64xf32, #tpu.memory_space<vmem>>, vector<16xf32>,
    tpu.vector_store %arg7[%swap3A_266, %swap3A_267], %gather3A_264 {strides = array<i32>} : memref<16x64xf32, #tpu.memory_space<vmem>>, vector<16xf32>,
    %get3A_269 = arith.constant 368 : index
    %get3A_270 = tpu.vector_load %arg6[%get3A_269] {strides = array<i32>} : memref<1024xi32, #tpu.memory_space<vmem>>, vector<16xi32>,
    %add3A_271 = arith.constant 640 : i32
    %add3A_272 = vector.broadcast %add3A_271 : i32 to vector<16xi32>
    %add3A_273 = arith.addi %get3A_270, %add3A_272 : vector<16xi32>
    %gather3A_274 = tpu.vector_load_idx %arg5[%add3A_273] : memref<2048xf32, #tpu.memory_space<vmem>>[vector<16xi32>], vector<16xf32>,
    %swap3A_275 = arith.constant 5 : i32
    %swap3A_276 = arith.index_cast %swap3A_275 : i32 to index
    %swap3A_277 = arith.constant 48 : index
    %swap3A_278 = tpu.vector_load %arg7[%swap3A_276, %swap3A_277] {strides = array<i32>} : memref<16x64xf32, #tpu.memory_space<vmem>>, vector<16xf32>,
    tpu.vector_store %arg7[%swap3A_276, %swap3A_277], %gather3A_274 {strides = array<i32>} : memref<16x64xf32, #tpu.memory_space<vmem>>, vector<16xf32>,
    %get3A_279 = arith.constant 384 : index
    %get3A_280 = tpu.vector_load %arg6[%get3A_279] {strides = array<i32>} : memref<1024xi32, #tpu.memory_space<vmem>>, vector<16xi32>,
    %add3A_281 = arith.constant 768 : i32
    %add3A_282 = vector.broadcast %add3A_281 : i32 to vector<16xi32>
    %add3A_283 = arith.addi %get3A_280, %add3A_282 : vector<16xi32>
    %gather3A_284 = tpu.vector_load_idx %arg5[%add3A_283] : memref<2048xf32, #tpu.memory_space<vmem>>[vector<16xi32>], vector<16xf32>,
    %swap3A_285 = arith.constant 6 : i32
    %swap3A_286 = arith.index_cast %swap3A_285 : i32 to index
    %swap3A_287 = arith.constant 0 : index
    %swap3A_288 = tpu.vector_load %arg7[%swap3A_286, %swap3A_287] {strides = array<i32>} : memref<16x64xf32, #tpu.memory_space<vmem>>, vector<16xf32>,
    tpu.vector_store %arg7[%swap3A_286, %swap3A_287], %gather3A_284 {strides = array<i32>} : memref<16x64xf32, #tpu.memory_space<vmem>>, vector<16xf32>,
    %get3A_289 = arith.constant 400 : index
    %get3A_290 = tpu.vector_load %arg6[%get3A_289] {strides = array<i32>} : memref<1024xi32, #tpu.memory_space<vmem>>, vector<16xi32>,
    %add3A_291 = arith.constant 768 : i32
    %add3A_292 = vector.broadcast %add3A_291 : i32 to vector<16xi32>
    %add3A_293 = arith.addi %get3A_290, %add3A_292 : vector<16xi32>
    %gather3A_294 = tpu.vector_load_idx %arg5[%add3A_293] : memref<2048xf32, #tpu.memory_space<vmem>>[vector<16xi32>], vector<16xf32>,
    %swap3A_295 = arith.constant 6 : i32
    %swap3A_296 = arith.index_cast %swap3A_295 : i32 to index
    %swap3A_297 = arith.constant 16 : index
    %swap3A_298 = tpu.vector_load %arg7[%swap3A_296, %swap3A_297] {strides = array<i32>} : memref<16x64xf32, #tpu.memory_space<vmem>>, vector<16xf32>,
    tpu.vector_store %arg7[%swap3A_296, %swap3A_297], %gather3A_294 {strides = array<i32>} : memref<16x64xf32, #tpu.memory_space<vmem>>, vector<16xf32>,
    %get3A_299 = arith.constant 416 : index
    %get3A_300 = tpu.vector_load %arg6[%get3A_299] {strides = array<i32>} : memref<1024xi32, #tpu.memory_space<vmem>>, vector<16xi32>,
    %add3A_301 = arith.constant 768 : i32
    %add3A_302 = vector.broadcast %add3A_301 : i32 to vector<16xi32>
    %add3A_303 = arith.addi %get3A_300, %add3A_302 : vector<16xi32>
    %gather3A_304 = tpu.vector_load_idx %arg5[%add3A_303] : memref<2048xf32, #tpu.memory_space<vmem>>[vector<16xi32>], vector<16xf32>,
    %swap3A_305 = arith.constant 6 : i32
    %swap3A_306 = arith.index_cast %swap3A_305 : i32 to index
    %swap3A_307 = arith.constant 32 : index
    %swap3A_308 = tpu.vector_load %arg7[%swap3A_306, %swap3A_307] {strides = array<i32>} : memref<16x64xf32, #tpu.memory_space<vmem>>, vector<16xf32>,
    tpu.vector_store %arg7[%swap3A_306, %swap3A_307], %gather3A_304 {strides = array<i32>} : memref<16x64xf32, #tpu.memory_space<vmem>>, vector<16xf32>,
    %get3A_309 = arith.constant 432 : index
    %get3A_310 = tpu.vector_load %arg6[%get3A_309] {strides = array<i32>} : memref<1024xi32, #tpu.memory_space<vmem>>, vector<16xi32>,
    %add3A_311 = arith.constant 768 : i32
    %add3A_312 = vector.broadcast %add3A_311 : i32 to vector<16xi32>
    %add3A_313 = arith.addi %get3A_310, %add3A_312 : vector<16xi32>
    %gather3A_314 = tpu.vector_load_idx %arg5[%add3A_313] : memref<2048xf32, #tpu.memory_space<vmem>>[vector<16xi32>], vector<16xf32>,
    %swap3A_315 = arith.constant 6 : i32
    %swap3A_316 = arith.index_cast %swap3A_315 : i32 to index
    %swap3A_317 = arith.constant 48 : index
    %swap3A_318 = tpu.vector_load %arg7[%swap3A_316, %swap3A_317] {strides = array<i32>} : memref<16x64xf32, #tpu.memory_space<vmem>>, vector<16xf32>,
    tpu.vector_store %arg7[%swap3A_316, %swap3A_317], %gather3A_314 {strides = array<i32>} : memref<16x64xf32, #tpu.memory_space<vmem>>, vector<16xf32>,
    %get3A_319 = arith.constant 448 : index
    %get3A_320 = tpu.vector_load %arg6[%get3A_319] {strides = array<i32>} : memref<1024xi32, #tpu.memory_space<vmem>>, vector<16xi32>,
    %add3A_321 = arith.constant 896 : i32
    %add3A_322 = vector.broadcast %add3A_321 : i32 to vector<16xi32>
    %add3A_323 = arith.addi %get3A_320, %add3A_322 : vector<16xi32>
    %gather3A_324 = tpu.vector_load_idx %arg5[%add3A_323] : memref<2048xf32, #tpu.memory_space<vmem>>[vector<16xi32>], vector<16xf32>,
    %swap3A_325 = arith.constant 7 : i32
    %swap3A_326 = arith.index_cast %swap3A_325 : i32 to index
    %swap3A_327 = arith.constant 0 : index
    %swap3A_328 = tpu.vector_load %arg7[%swap3A_326, %swap3A_327] {strides = array<i32>} : memref<16x64xf32, #tpu.memory_space<vmem>>, vector<16xf32>,
    tpu.vector_store %arg7[%swap3A_326, %swap3A_327], %gather3A_324 {strides = array<i32>} : memref<16x64xf32, #tpu.memory_space<vmem>>, vector<16xf32>,
    %get3A_329 = arith.constant 464 : index
    %get3A_330 = tpu.vector_load %arg6[%get3A_329] {strides = array<i32>} : memref<1024xi32, #tpu.memory_space<vmem>>, vector<16xi32>,
    %add3A_331 = arith.constant 896 : i32
    %add3A_332 = vector.broadcast %add3A_331 : i32 to vector<16xi32>
    %add3A_333 = arith.addi %get3A_330, %add3A_332 : vector<16xi32>
    %gather3A_334 = tpu.vector_load_idx %arg5[%add3A_333] : memref<2048xf32, #tpu.memory_space<vmem>>[vector<16xi32>], vector<16xf32>,
    %swap3A_335 = arith.constant 7 : i32
    %swap3A_336 = arith.index_cast %swap3A_335 : i32 to index
    %swap3A_337 = arith.constant 16 : index
    %swap3A_338 = tpu.vector_load %arg7[%swap3A_336, %swap3A_337] {strides = array<i32>} : memref<16x64xf32, #tpu.memory_space<vmem>>, vector<16xf32>,
    tpu.vector_store %arg7[%swap3A_336, %swap3A_337], %gather3A_334 {strides = array<i32>} : memref<16x64xf32, #tpu.memory_space<vmem>>, vector<16xf32>,
    %get3A_339 = arith.constant 480 : index
    %get3A_340 = tpu.vector_load %arg6[%get3A_339] {strides = array<i32>} : memref<1024xi32, #tpu.memory_space<vmem>>, vector<16xi32>,
    %add3A_341 = arith.constant 896 : i32
    %add3A_342 = vector.broadcast %add3A_341 : i32 to vector<16xi32>
    %add3A_343 = arith.addi %get3A_340, %add3A_342 : vector<16xi32>
    %gather3A_344 = tpu.vector_load_idx %arg5[%add3A_343] : memref<2048xf32, #tpu.memory_space<vmem>>[vector<16xi32>], vector<16xf32>,
    %swap3A_345 = arith.constant 7 : i32
    %swap3A_346 = arith.index_cast %swap3A_345 : i32 to index
    %swap3A_347 = arith.constant 32 : index
    %swap3A_348 = tpu.vector_load %arg7[%swap3A_346, %swap3A_347] {strides = array<i32>} : memref<16x64xf32, #tpu.memory_space<vmem>>, vector<16xf32>,
    tpu.vector_store %arg7[%swap3A_346, %swap3A_347], %gather3A_344 {strides = array<i32>} : memref<16x64xf32, #tpu.memory_space<vmem>>, vector<16xf32>,
    %get3A_349 = arith.constant 496 : index
    %get3A_350 = tpu.vector_load %arg6[%get3A_349] {strides = array<i32>} : memref<1024xi32, #tpu.memory_space<vmem>>, vector<16xi32>,
    %add3A_351 = arith.constant 896 : i32
    %add3A_352 = vector.broadcast %add3A_351 : i32 to vector<16xi32>
    %add3A_353 = arith.addi %get3A_350, %add3A_352 : vector<16xi32>
    %gather3A_354 = tpu.vector_load_idx %arg5[%add3A_353] : memref<2048xf32, #tpu.memory_space<vmem>>[vector<16xi32>], vector<16xf32>,
    %swap3A_355 = arith.constant 7 : i32
    %swap3A_356 = arith.index_cast %swap3A_355 : i32 to index
    %swap3A_357 = arith.constant 48 : index
    %swap3A_358 = tpu.vector_load %arg7[%swap3A_356, %swap3A_357] {strides = array<i32>} : memref<16x64xf32, #tpu.memory_space<vmem>>, vector<16xf32>,
    tpu.vector_store %arg7[%swap3A_356, %swap3A_357], %gather3A_354 {strides = array<i32>} : memref<16x64xf32, #tpu.memory_space<vmem>>, vector<16xf32>,
    %add3A_359 = arith.constant 0 : i32
    %add3A_360 = arith.addi %mul3A_41, %add3A_359 : i32
    %dma_start3A_361 = arith.constant 0 : i32
    %dma_start3A_362 = arith.constant 0 : i32
    %dma_start3A_363 = tpu.memref_slice %arg7[%dma_start3A_361, %dma_start3A_362] : memref<16x64xf32, #tpu.memory_space<vmem>> -> memref<8x64xf32, #tpu.memory_space<vmem>>
    %dma_start3A_364 = arith.constant 0 : i32
    %dma_start3A_365 = tpu.memref_slice %arg4[%select_n3A, %add3A_360, %dma_start3A_364] : memref<8x32x64xf32, #tpu.memory_space<hbm>> -> memref<1x8x64xf32, #tpu.memory_space<hbm>>
    %dma_start3A_366 = tpu.memref_squeeze %dma_start3A_365 : memref<1x8x64xf32, #tpu.memory_space<hbm>> -> memref<8x64xf32, #tpu.memory_space<hbm>>
    %dma_start3A_367 = arith.constant 0 : i32
    %dma_start3A_368 = tpu.memref_slice %arg4[%select_n3A, %add3A_360, %dma_start3A_367] : memref<8x32x64xf32, #tpu.memory_space<hbm>> -> memref<1x8x64xf32, #tpu.memory_space<hbm>>
    %dma_start3A_369 = tpu.memref_squeeze %dma_start3A_368 : memref<1x8x64xf32, #tpu.memory_space<hbm>> -> memref<8x64xf32, #tpu.memory_space<hbm>>
    %dma_start3A_370 = arith.constant 0 : i32
    %dma_start3A_371 = arith.constant 0 : i32
    %dma_start3A_372 = tpu.memref_slice %arg7[%dma_start3A_370, %dma_start3A_371] : memref<16x64xf32, #tpu.memory_space<vmem>> -> memref<8x64xf32, #tpu.memory_space<vmem>>
    tpu.enqueue_dma source(%dma_start3A_372 : memref<8x64xf32, #tpu.memory_space<vmem>>) target(%dma_start3A_369 : memref<8x64xf32, #tpu.memory_space<hbm>>) target_semaphore(%arg10 : memref<!tpu.dma_semaphore, #tpu.memory_space<semaphore_mem>>)
    %get3A_373 = arith.constant 512 : index
    %get3A_374 = tpu.vector_load %arg6[%get3A_373] {strides = array<i32>} : memref<1024xi32, #tpu.memory_space<vmem>>, vector<16xi32>,
    %add3A_375 = arith.constant 1024 : i32
    %add3A_376 = vector.broadcast %add3A_375 : i32 to vector<16xi32>
    %add3A_377 = arith.addi %get3A_374, %add3A_376 : vector<16xi32>
    %gather3A_378 = tpu.vector_load_idx %arg5[%add3A_377] : memref<2048xf32, #tpu.memory_space<vmem>>[vector<16xi32>], vector<16xf32>,
    %swap3A_379 = arith.constant 8 : i32
    %swap3A_380 = arith.index_cast %swap3A_379 : i32 to index
    %swap3A_381 = arith.constant 0 : index
    %swap3A_382 = tpu.vector_load %arg7[%swap3A_380, %swap3A_381] {strides = array<i32>} : memref<16x64xf32, #tpu.memory_space<vmem>>, vector<16xf32>,
    tpu.vector_store %arg7[%swap3A_380, %swap3A_381], %gather3A_378 {strides = array<i32>} : memref<16x64xf32, #tpu.memory_space<vmem>>, vector<16xf32>,
    %get3A_383 = arith.constant 528 : index
    %get3A_384 = tpu.vector_load %arg6[%get3A_383] {strides = array<i32>} : memref<1024xi32, #tpu.memory_space<vmem>>, vector<16xi32>,
    %add3A_385 = arith.constant 1024 : i32
    %add3A_386 = vector.broadcast %add3A_385 : i32 to vector<16xi32>
    %add3A_387 = arith.addi %get3A_384, %add3A_386 : vector<16xi32>
    %gather3A_388 = tpu.vector_load_idx %arg5[%add3A_387] : memref<2048xf32, #tpu.memory_space<vmem>>[vector<16xi32>], vector<16xf32>,
    %swap3A_389 = arith.constant 8 : i32
    %swap3A_390 = arith.index_cast %swap3A_389 : i32 to index
    %swap3A_391 = arith.constant 16 : index
    %swap3A_392 = tpu.vector_load %arg7[%swap3A_390, %swap3A_391] {strides = array<i32>} : memref<16x64xf32, #tpu.memory_space<vmem>>, vector<16xf32>,
    tpu.vector_store %arg7[%swap3A_390, %swap3A_391], %gather3A_388 {strides = array<i32>} : memref<16x64xf32, #tpu.memory_space<vmem>>, vector<16xf32>,
    %get3A_393 = arith.constant 544 : index
    %get3A_394 = tpu.vector_load %arg6[%get3A_393] {strides = array<i32>} : memref<1024xi32, #tpu.memory_space<vmem>>, vector<16xi32>,
    %add3A_395 = arith.constant 1024 : i32
    %add3A_396 = vector.broadcast %add3A_395 : i32 to vector<16xi32>
    %add3A_397 = arith.addi %get3A_394, %add3A_396 : vector<16xi32>
    %gather3A_398 = tpu.vector_load_idx %arg5[%add3A_397] : memref<2048xf32, #tpu.memory_space<vmem>>[vector<16xi32>], vector<16xf32>,
    %swap3A_399 = arith.constant 8 : i32
    %swap3A_400 = arith.index_cast %swap3A_399 : i32 to index
    %swap3A_401 = arith.constant 32 : index
    %swap3A_402 = tpu.vector_load %arg7[%swap3A_400, %swap3A_401] {strides = array<i32>} : memref<16x64xf32, #tpu.memory_space<vmem>>, vector<16xf32>,
    tpu.vector_store %arg7[%swap3A_400, %swap3A_401], %gather3A_398 {strides = array<i32>} : memref<16x64xf32, #tpu.memory_space<vmem>>, vector<16xf32>,
    %get3A_403 = arith.constant 560 : index
    %get3A_404 = tpu.vector_load %arg6[%get3A_403] {strides = array<i32>} : memref<1024xi32, #tpu.memory_space<vmem>>, vector<16xi32>,
    %add3A_405 = arith.constant 1024 : i32
    %add3A_406 = vector.broadcast %add3A_405 : i32 to vector<16xi32>
    %add3A_407 = arith.addi %get3A_404, %add3A_406 : vector<16xi32>
    %gather3A_408 = tpu.vector_load_idx %arg5[%add3A_407] : memref<2048xf32, #tpu.memory_space<vmem>>[vector<16xi32>], vector<16xf32>,
    %swap3A_409 = arith.constant 8 : i32
    %swap3A_410 = arith.index_cast %swap3A_409 : i32 to index
    %swap3A_411 = arith.constant 48 : index
    %swap3A_412 = tpu.vector_load %arg7[%swap3A_410, %swap3A_411] {strides = array<i32>} : memref<16x64xf32, #tpu.memory_space<vmem>>, vector<16xf32>,
    tpu.vector_store %arg7[%swap3A_410, %swap3A_411], %gather3A_408 {strides = array<i32>} : memref<16x64xf32, #tpu.memory_space<vmem>>, vector<16xf32>,
    %get3A_413 = arith.constant 576 : index
    %get3A_414 = tpu.vector_load %arg6[%get3A_413] {strides = array<i32>} : memref<1024xi32, #tpu.memory_space<vmem>>, vector<16xi32>,
    %add3A_415 = arith.constant 1152 : i32
    %add3A_416 = vector.broadcast %add3A_415 : i32 to vector<16xi32>
    %add3A_417 = arith.addi %get3A_414, %add3A_416 : vector<16xi32>
    %gather3A_418 = tpu.vector_load_idx %arg5[%add3A_417] : memref<2048xf32, #tpu.memory_space<vmem>>[vector<16xi32>], vector<16xf32>,
    %swap3A_419 = arith.constant 9 : i32
    %swap3A_420 = arith.index_cast %swap3A_419 : i32 to index
    %swap3A_421 = arith.constant 0 : index
    %swap3A_422 = tpu.vector_load %arg7[%swap3A_420, %swap3A_421] {strides = array<i32>} : memref<16x64xf32, #tpu.memory_space<vmem>>, vector<16xf32>,
    tpu.vector_store %arg7[%swap3A_420, %swap3A_421], %gather3A_418 {strides = array<i32>} : memref<16x64xf32, #tpu.memory_space<vmem>>, vector<16xf32>,
    %get3A_423 = arith.constant 592 : index
    %get3A_424 = tpu.vector_load %arg6[%get3A_423] {strides = array<i32>} : memref<1024xi32, #tpu.memory_space<vmem>>, vector<16xi32>,
    %add3A_425 = arith.constant 1152 : i32
    %add3A_426 = vector.broadcast %add3A_425 : i32 to vector<16xi32>
    %add3A_427 = arith.addi %get3A_424, %add3A_426 : vector<16xi32>
    %gather3A_428 = tpu.vector_load_idx %arg5[%add3A_427] : memref<2048xf32, #tpu.memory_space<vmem>>[vector<16xi32>], vector<16xf32>,
    %swap3A_429 = arith.constant 9 : i32
    %swap3A_430 = arith.index_cast %swap3A_429 : i32 to index
    %swap3A_431 = arith.constant 16 : index
    %swap3A_432 = tpu.vector_load %arg7[%swap3A_430, %swap3A_431] {strides = array<i32>} : memref<16x64xf32, #tpu.memory_space<vmem>>, vector<16xf32>,
    tpu.vector_store %arg7[%swap3A_430, %swap3A_431], %gather3A_428 {strides = array<i32>} : memref<16x64xf32, #tpu.memory_space<vmem>>, vector<16xf32>,
    %get3A_433 = arith.constant 608 : index
    %get3A_434 = tpu.vector_load %arg6[%get3A_433] {strides = array<i32>} : memref<1024xi32, #tpu.memory_space<vmem>>, vector<16xi32>,
    %add3A_435 = arith.constant 1152 : i32
    %add3A_436 = vector.broadcast %add3A_435 : i32 to vector<16xi32>
    %add3A_437 = arith.addi %get3A_434, %add3A_436 : vector<16xi32>
    %gather3A_438 = tpu.vector_load_idx %arg5[%add3A_437] : memref<2048xf32, #tpu.memory_space<vmem>>[vector<16xi32>], vector<16xf32>,
    %swap3A_439 = arith.constant 9 : i32
    %swap3A_440 = arith.index_cast %swap3A_439 : i32 to index
    %swap3A_441 = arith.constant 32 : index
    %swap3A_442 = tpu.vector_load %arg7[%swap3A_440, %swap3A_441] {strides = array<i32>} : memref<16x64xf32, #tpu.memory_space<vmem>>, vector<16xf32>,
    tpu.vector_store %arg7[%swap3A_440, %swap3A_441], %gather3A_438 {strides = array<i32>} : memref<16x64xf32, #tpu.memory_space<vmem>>, vector<16xf32>,
    %get3A_443 = arith.constant 624 : index
    %get3A_444 = tpu.vector_load %arg6[%get3A_443] {strides = array<i32>} : memref<1024xi32, #tpu.memory_space<vmem>>, vector<16xi32>,
    %add3A_445 = arith.constant 1152 : i32
    %add3A_446 = vector.broadcast %add3A_445 : i32 to vector<16xi32>
    %add3A_447 = arith.addi %get3A_444, %add3A_446 : vector<16xi32>
    %gather3A_448 = tpu.vector_load_idx %arg5[%add3A_447] : memref<2048xf32, #tpu.memory_space<vmem>>[vector<16xi32>], vector<16xf32>,
    %swap3A_449 = arith.constant 9 : i32
    %swap3A_450 = arith.index_cast %swap3A_449 : i32 to index
    %swap3A_451 = arith.constant 48 : index
    %swap3A_452 = tpu.vector_load %arg7[%swap3A_450, %swap3A_451] {strides = array<i32>} : memref<16x64xf32, #tpu.memory_space<vmem>>, vector<16xf32>,
    tpu.vector_store %arg7[%swap3A_450, %swap3A_451], %gather3A_448 {strides = array<i32>} : memref<16x64xf32, #tpu.memory_space<vmem>>, vector<16xf32>,
    %get3A_453 = arith.constant 640 : index
    %get3A_454 = tpu.vector_load %arg6[%get3A_453] {strides = array<i32>} : memref<1024xi32, #tpu.memory_space<vmem>>, vector<16xi32>,
    %add3A_455 = arith.constant 1280 : i32
    %add3A_456 = vector.broadcast %add3A_455 : i32 to vector<16xi32>
    %add3A_457 = arith.addi %get3A_454, %add3A_456 : vector<16xi32>
    %gather3A_458 = tpu.vector_load_idx %arg5[%add3A_457] : memref<2048xf32, #tpu.memory_space<vmem>>[vector<16xi32>], vector<16xf32>,
    %swap3A_459 = arith.constant 10 : i32
    %swap3A_460 = arith.index_cast %swap3A_459 : i32 to index
    %swap3A_461 = arith.constant 0 : index
    %swap3A_462 = tpu.vector_load %arg7[%swap3A_460, %swap3A_461] {strides = array<i32>} : memref<16x64xf32, #tpu.memory_space<vmem>>, vector<16xf32>,
    tpu.vector_store %arg7[%swap3A_460, %swap3A_461], %gather3A_458 {strides = array<i32>} : memref<16x64xf32, #tpu.memory_space<vmem>>, vector<16xf32>,
    %get3A_463 = arith.constant 656 : index
    %get3A_464 = tpu.vector_load %arg6[%get3A_463] {strides = array<i32>} : memref<1024xi32, #tpu.memory_space<vmem>>, vector<16xi32>,
    %add3A_465 = arith.constant 1280 : i32
    %add3A_466 = vector.broadcast %add3A_465 : i32 to vector<16xi32>
    %add3A_467 = arith.addi %get3A_464, %add3A_466 : vector<16xi32>
    %gather3A_468 = tpu.vector_load_idx %arg5[%add3A_467] : memref<2048xf32, #tpu.memory_space<vmem>>[vector<16xi32>], vector<16xf32>,
    %swap3A_469 = arith.constant 10 : i32
    %swap3A_470 = arith.index_cast %swap3A_469 : i32 to index
    %swap3A_471 = arith.constant 16 : index
    %swap3A_472 = tpu.vector_load %arg7[%swap3A_470, %swap3A_471] {strides = array<i32>} : memref<16x64xf32, #tpu.memory_space<vmem>>, vector<16xf32>,
    tpu.vector_store %arg7[%swap3A_470, %swap3A_471], %gather3A_468 {strides = array<i32>} : memref<16x64xf32, #tpu.memory_space<vmem>>, vector<16xf32>,
    %get3A_473 = arith.constant 672 : index
    %get3A_474 = tpu.vector_load %arg6[%get3A_473] {strides = array<i32>} : memref<1024xi32, #tpu.memory_space<vmem>>, vector<16xi32>,
    %add3A_475 = arith.constant 1280 : i32
    %add3A_476 = vector.broadcast %add3A_475 : i32 to vector<16xi32>
    %add3A_477 = arith.addi %get3A_474, %add3A_476 : vector<16xi32>
    %gather3A_478 = tpu.vector_load_idx %arg5[%add3A_477] : memref<2048xf32, #tpu.memory_space<vmem>>[vector<16xi32>], vector<16xf32>,
    %swap3A_479 = arith.constant 10 : i32
    %swap3A_480 = arith.index_cast %swap3A_479 : i32 to index
    %swap3A_481 = arith.constant 32 : index
    %swap3A_482 = tpu.vector_load %arg7[%swap3A_480, %swap3A_481] {strides = array<i32>} : memref<16x64xf32, #tpu.memory_space<vmem>>, vector<16xf32>,
    tpu.vector_store %arg7[%swap3A_480, %swap3A_481], %gather3A_478 {strides = array<i32>} : memref<16x64xf32, #tpu.memory_space<vmem>>, vector<16xf32>,
    %get3A_483 = arith.constant 688 : index
    %get3A_484 = tpu.vector_load %arg6[%get3A_483] {strides = array<i32>} : memref<1024xi32, #tpu.memory_space<vmem>>, vector<16xi32>,
    %add3A_485 = arith.constant 1280 : i32
    %add3A_486 = vector.broadcast %add3A_485 : i32 to vector<16xi32>
    %add3A_487 = arith.addi %get3A_484, %add3A_486 : vector<16xi32>
    %gather3A_488 = tpu.vector_load_idx %arg5[%add3A_487] : memref<2048xf32, #tpu.memory_space<vmem>>[vector<16xi32>], vector<16xf32>,
    %swap3A_489 = arith.constant 10 : i32
    %swap3A_490 = arith.index_cast %swap3A_489 : i32 to index
    %swap3A_491 = arith.constant 48 : index
    %swap3A_492 = tpu.vector_load %arg7[%swap3A_490, %swap3A_491] {strides = array<i32>} : memref<16x64xf32, #tpu.memory_space<vmem>>, vector<16xf32>,
    tpu.vector_store %arg7[%swap3A_490, %swap3A_491], %gather3A_488 {strides = array<i32>} : memref<16x64xf32, #tpu.memory_space<vmem>>, vector<16xf32>,
    %get3A_493 = arith.constant 704 : index
    %get3A_494 = tpu.vector_load %arg6[%get3A_493] {strides = array<i32>} : memref<1024xi32, #tpu.memory_space<vmem>>, vector<16xi32>,
    %add3A_495 = arith.constant 1408 : i32
    %add3A_496 = vector.broadcast %add3A_495 : i32 to vector<16xi32>
    %add3A_497 = arith.addi %get3A_494, %add3A_496 : vector<16xi32>
    %gather3A_498 = tpu.vector_load_idx %arg5[%add3A_497] : memref<2048xf32, #tpu.memory_space<vmem>>[vector<16xi32>], vector<16xf32>,
    %swap3A_499 = arith.constant 11 : i32
    %swap3A_500 = arith.index_cast %swap3A_499 : i32 to index
    %swap3A_501 = arith.constant 0 : index
    %swap3A_502 = tpu.vector_load %arg7[%swap3A_500, %swap3A_501] {strides = array<i32>} : memref<16x64xf32, #tpu.memory_space<vmem>>, vector<16xf32>,
    tpu.vector_store %arg7[%swap3A_500, %swap3A_501], %gather3A_498 {strides = array<i32>} : memref<16x64xf32, #tpu.memory_space<vmem>>, vector<16xf32>,
    %get3A_503 = arith.constant 720 : index
    %get3A_504 = tpu.vector_load %arg6[%get3A_503] {strides = array<i32>} : memref<1024xi32, #tpu.memory_space<vmem>>, vector<16xi32>,
    %add3A_505 = arith.constant 1408 : i32
    %add3A_506 = vector.broadcast %add3A_505 : i32 to vector<16xi32>
    %add3A_507 = arith.addi %get3A_504, %add3A_506 : vector<16xi32>
    %gather3A_508 = tpu.vector_load_idx %arg5[%add3A_507] : memref<2048xf32, #tpu.memory_space<vmem>>[vector<16xi32>], vector<16xf32>,
    %swap3A_509 = arith.constant 11 : i32
    %swap3A_510 = arith.index_cast %swap3A_509 : i32 to index
    %swap3A_511 = arith.constant 16 : index
    %swap3A_512 = tpu.vector_load %arg7[%swap3A_510, %swap3A_511] {strides = array<i32>} : memref<16x64xf32, #tpu.memory_space<vmem>>, vector<16xf32>,
    tpu.vector_store %arg7[%swap3A_510, %swap3A_511], %gather3A_508 {strides = array<i32>} : memref<16x64xf32, #tpu.memory_space<vmem>>, vector<16xf32>,
    %get3A_513 = arith.constant 736 : index
    %get3A_514 = tpu.vector_load %arg6[%get3A_513] {strides = array<i32>} : memref<1024xi32, #tpu.memory_space<vmem>>, vector<16xi32>,
    %add3A_515 = arith.constant 1408 : i32
    %add3A_516 = vector.broadcast %add3A_515 : i32 to vector<16xi32>
    %add3A_517 = arith.addi %get3A_514, %add3A_516 : vector<16xi32>
    %gather3A_518 = tpu.vector_load_idx %arg5[%add3A_517] : memref<2048xf32, #tpu.memory_space<vmem>>[vector<16xi32>], vector<16xf32>,
    %swap3A_519 = arith.constant 11 : i32
    %swap3A_520 = arith.index_cast %swap3A_519 : i32 to index
    %swap3A_521 = arith.constant 32 : index
    %swap3A_522 = tpu.vector_load %arg7[%swap3A_520, %swap3A_521] {strides = array<i32>} : memref<16x64xf32, #tpu.memory_space<vmem>>, vector<16xf32>,
    tpu.vector_store %arg7[%swap3A_520, %swap3A_521], %gather3A_518 {strides = array<i32>} : memref<16x64xf32, #tpu.memory_space<vmem>>, vector<16xf32>,
    %get3A_523 = arith.constant 752 : index
    %get3A_524 = tpu.vector_load %arg6[%get3A_523] {strides = array<i32>} : memref<1024xi32, #tpu.memory_space<vmem>>, vector<16xi32>,
    %add3A_525 = arith.constant 1408 : i32
    %add3A_526 = vector.broadcast %add3A_525 : i32 to vector<16xi32>
    %add3A_527 = arith.addi %get3A_524, %add3A_526 : vector<16xi32>
    %gather3A_528 = tpu.vector_load_idx %arg5[%add3A_527] : memref<2048xf32, #tpu.memory_space<vmem>>[vector<16xi32>], vector<16xf32>,
    %swap3A_529 = arith.constant 11 : i32
    %swap3A_530 = arith.index_cast %swap3A_529 : i32 to index
    %swap3A_531 = arith.constant 48 : index
    %swap3A_532 = tpu.vector_load %arg7[%swap3A_530, %swap3A_531] {strides = array<i32>} : memref<16x64xf32, #tpu.memory_space<vmem>>, vector<16xf32>,
    tpu.vector_store %arg7[%swap3A_530, %swap3A_531], %gather3A_528 {strides = array<i32>} : memref<16x64xf32, #tpu.memory_space<vmem>>, vector<16xf32>,
    %get3A_533 = arith.constant 768 : index
    %get3A_534 = tpu.vector_load %arg6[%get3A_533] {strides = array<i32>} : memref<1024xi32, #tpu.memory_space<vmem>>, vector<16xi32>,
    %add3A_535 = arith.constant 1536 : i32
    %add3A_536 = vector.broadcast %add3A_535 : i32 to vector<16xi32>
    %add3A_537 = arith.addi %get3A_534, %add3A_536 : vector<16xi32>
    %gather3A_538 = tpu.vector_load_idx %arg5[%add3A_537] : memref<2048xf32, #tpu.memory_space<vmem>>[vector<16xi32>], vector<16xf32>,
    %swap3A_539 = arith.constant 12 : i32
    %swap3A_540 = arith.index_cast %swap3A_539 : i32 to index
    %swap3A_541 = arith.constant 0 : index
    %swap3A_542 = tpu.vector_load %arg7[%swap3A_540, %swap3A_541] {strides = array<i32>} : memref<16x64xf32, #tpu.memory_space<vmem>>, vector<16xf32>,
    tpu.vector_store %arg7[%swap3A_540, %swap3A_541], %gather3A_538 {strides = array<i32>} : memref<16x64xf32, #tpu.memory_space<vmem>>, vector<16xf32>,
    %get3A_543 = arith.constant 784 : index
    %get3A_544 = tpu.vector_load %arg6[%get3A_543] {strides = array<i32>} : memref<1024xi32, #tpu.memory_space<vmem>>, vector<16xi32>,
    %add3A_545 = arith.constant 1536 : i32
    %add3A_546 = vector.broadcast %add3A_545 : i32 to vector<16xi32>
    %add3A_547 = arith.addi %get3A_544, %add3A_546 : vector<16xi32>
    %gather3A_548 = tpu.vector_load_idx %arg5[%add3A_547] : memref<2048xf32, #tpu.memory_space<vmem>>[vector<16xi32>], vector<16xf32>,
    %swap3A_549 = arith.constant 12 : i32
    %swap3A_550 = arith.index_cast %swap3A_549 : i32 to index
    %swap3A_551 = arith.constant 16 : index
    %swap3A_552 = tpu.vector_load %arg7[%swap3A_550, %swap3A_551] {strides = array<i32>} : memref<16x64xf32, #tpu.memory_space<vmem>>, vector<16xf32>,
    tpu.vector_store %arg7[%swap3A_550, %swap3A_551], %gather3A_548 {strides = array<i32>} : memref<16x64xf32, #tpu.memory_space<vmem>>, vector<16xf32>,
    %get3A_553 = arith.constant 800 : index
    %get3A_554 = tpu.vector_load %arg6[%get3A_553] {strides = array<i32>} : memref<1024xi32, #tpu.memory_space<vmem>>, vector<16xi32>,
    %add3A_555 = arith.constant 1536 : i32
    %add3A_556 = vector.broadcast %add3A_555 : i32 to vector<16xi32>
    %add3A_557 = arith.addi %get3A_554, %add3A_556 : vector<16xi32>
    %gather3A_558 = tpu.vector_load_idx %arg5[%add3A_557] : memref<2048xf32, #tpu.memory_space<vmem>>[vector<16xi32>], vector<16xf32>,
    %swap3A_559 = arith.constant 12 : i32
    %swap3A_560 = arith.index_cast %swap3A_559 : i32 to index
    %swap3A_561 = arith.constant 32 : index
    %swap3A_562 = tpu.vector_load %arg7[%swap3A_560, %swap3A_561] {strides = array<i32>} : memref<16x64xf32, #tpu.memory_space<vmem>>, vector<16xf32>,
    tpu.vector_store %arg7[%swap3A_560, %swap3A_561], %gather3A_558 {strides = array<i32>} : memref<16x64xf32, #tpu.memory_space<vmem>>, vector<16xf32>,
    %get3A_563 = arith.constant 816 : index
    %get3A_564 = tpu.vector_load %arg6[%get3A_563] {strides = array<i32>} : memref<1024xi32, #tpu.memory_space<vmem>>, vector<16xi32>,
    %add3A_565 = arith.constant 1536 : i32
    %add3A_566 = vector.broadcast %add3A_565 : i32 to vector<16xi32>
    %add3A_567 = arith.addi %get3A_564, %add3A_566 : vector<16xi32>
    %gather3A_568 = tpu.vector_load_idx %arg5[%add3A_567] : memref<2048xf32, #tpu.memory_space<vmem>>[vector<16xi32>], vector<16xf32>,
    %swap3A_569 = arith.constant 12 : i32
    %swap3A_570 = arith.index_cast %swap3A_569 : i32 to index
    %swap3A_571 = arith.constant 48 : index
    %swap3A_572 = tpu.vector_load %arg7[%swap3A_570, %swap3A_571] {strides = array<i32>} : memref<16x64xf32, #tpu.memory_space<vmem>>, vector<16xf32>,
    tpu.vector_store %arg7[%swap3A_570, %swap3A_571], %gather3A_568 {strides = array<i32>} : memref<16x64xf32, #tpu.memory_space<vmem>>, vector<16xf32>,
    %get3A_573 = arith.constant 832 : index
    %get3A_574 = tpu.vector_load %arg6[%get3A_573] {strides = array<i32>} : memref<1024xi32, #tpu.memory_space<vmem>>, vector<16xi32>,
    %add3A_575 = arith.constant 1664 : i32
    %add3A_576 = vector.broadcast %add3A_575 : i32 to vector<16xi32>
    %add3A_577 = arith.addi %get3A_574, %add3A_576 : vector<16xi32>
    %gather3A_578 = tpu.vector_load_idx %arg5[%add3A_577] : memref<2048xf32, #tpu.memory_space<vmem>>[vector<16xi32>], vector<16xf32>,
    %swap3A_579 = arith.constant 13 : i32
    %swap3A_580 = arith.index_cast %swap3A_579 : i32 to index
    %swap3A_581 = arith.constant 0 : index
    %swap3A_582 = tpu.vector_load %arg7[%swap3A_580, %swap3A_581] {strides = array<i32>} : memref<16x64xf32, #tpu.memory_space<vmem>>, vector<16xf32>,
    tpu.vector_store %arg7[%swap3A_580, %swap3A_581], %gather3A_578 {strides = array<i32>} : memref<16x64xf32, #tpu.memory_space<vmem>>, vector<16xf32>,
    %get3A_583 = arith.constant 848 : index
    %get3A_584 = tpu.vector_load %arg6[%get3A_583] {strides = array<i32>} : memref<1024xi32, #tpu.memory_space<vmem>>, vector<16xi32>,
    %add3A_585 = arith.constant 1664 : i32
    %add3A_586 = vector.broadcast %add3A_585 : i32 to vector<16xi32>
    %add3A_587 = arith.addi %get3A_584, %add3A_586 : vector<16xi32>
    %gather3A_588 = tpu.vector_load_idx %arg5[%add3A_587] : memref<2048xf32, #tpu.memory_space<vmem>>[vector<16xi32>], vector<16xf32>,
    %swap3A_589 = arith.constant 13 : i32
    %swap3A_590 = arith.index_cast %swap3A_589 : i32 to index
    %swap3A_591 = arith.constant 16 : index
    %swap3A_592 = tpu.vector_load %arg7[%swap3A_590, %swap3A_591] {strides = array<i32>} : memref<16x64xf32, #tpu.memory_space<vmem>>, vector<16xf32>,
    tpu.vector_store %arg7[%swap3A_590, %swap3A_591], %gather3A_588 {strides = array<i32>} : memref<16x64xf32, #tpu.memory_space<vmem>>, vector<16xf32>,
    %get3A_593 = arith.constant 864 : index
    %get3A_594 = tpu.vector_load %arg6[%get3A_593] {strides = array<i32>} : memref<1024xi32, #tpu.memory_space<vmem>>, vector<16xi32>,
    %add3A_595 = arith.constant 1664 : i32
    %add3A_596 = vector.broadcast %add3A_595 : i32 to vector<16xi32>
    %add3A_597 = arith.addi %get3A_594, %add3A_596 : vector<16xi32>
    %gather3A_598 = tpu.vector_load_idx %arg5[%add3A_597] : memref<2048xf32, #tpu.memory_space<vmem>>[vector<16xi32>], vector<16xf32>,
    %swap3A_599 = arith.constant 13 : i32
    %swap3A_600 = arith.index_cast %swap3A_599 : i32 to index
    %swap3A_601 = arith.constant 32 : index
    %swap3A_602 = tpu.vector_load %arg7[%swap3A_600, %swap3A_601] {strides = array<i32>} : memref<16x64xf32, #tpu.memory_space<vmem>>, vector<16xf32>,
    tpu.vector_store %arg7[%swap3A_600, %swap3A_601], %gather3A_598 {strides = array<i32>} : memref<16x64xf32, #tpu.memory_space<vmem>>, vector<16xf32>,
    %get3A_603 = arith.constant 880 : index
    %get3A_604 = tpu.vector_load %arg6[%get3A_603] {strides = array<i32>} : memref<1024xi32, #tpu.memory_space<vmem>>, vector<16xi32>,
    %add3A_605 = arith.constant 1664 : i32
    %add3A_606 = vector.broadcast %add3A_605 : i32 to vector<16xi32>
    %add3A_607 = arith.addi %get3A_604, %add3A_606 : vector<16xi32>
    %gather3A_608 = tpu.vector_load_idx %arg5[%add3A_607] : memref<2048xf32, #tpu.memory_space<vmem>>[vector<16xi32>], vector<16xf32>,
    %swap3A_609 = arith.constant 13 : i32
    %swap3A_610 = arith.index_cast %swap3A_609 : i32 to index
    %swap3A_611 = arith.constant 48 : index
    %swap3A_612 = tpu.vector_load %arg7[%swap3A_610, %swap3A_611] {strides = array<i32>} : memref<16x64xf32, #tpu.memory_space<vmem>>, vector<16xf32>,
    tpu.vector_store %arg7[%swap3A_610, %swap3A_611], %gather3A_608 {strides = array<i32>} : memref<16x64xf32, #tpu.memory_space<vmem>>, vector<16xf32>,
    %get3A_613 = arith.constant 896 : index
    %get3A_614 = tpu.vector_load %arg6[%get3A_613] {strides = array<i32>} : memref<1024xi32, #tpu.memory_space<vmem>>, vector<16xi32>,
    %add3A_615 = arith.constant 1792 : i32
    %add3A_616 = vector.broadcast %add3A_615 : i32 to vector<16xi32>
    %add3A_617 = arith.addi %get3A_614, %add3A_616 : vector<16xi32>
    %gather3A_618 = tpu.vector_load_idx %arg5[%add3A_617] : memref<2048xf32, #tpu.memory_space<vmem>>[vector<16xi32>], vector<16xf32>,
    %swap3A_619 = arith.constant 14 : i32
    %swap3A_620 = arith.index_cast %swap3A_619 : i32 to index
    %swap3A_621 = arith.constant 0 : index
    %swap3A_622 = tpu.vector_load %arg7[%swap3A_620, %swap3A_621] {strides = array<i32>} : memref<16x64xf32, #tpu.memory_space<vmem>>, vector<16xf32>,
    tpu.vector_store %arg7[%swap3A_620, %swap3A_621], %gather3A_618 {strides = array<i32>} : memref<16x64xf32, #tpu.memory_space<vmem>>, vector<16xf32>,
    %get3A_623 = arith.constant 912 : index
    %get3A_624 = tpu.vector_load %arg6[%get3A_623] {strides = array<i32>} : memref<1024xi32, #tpu.memory_space<vmem>>, vector<16xi32>,
    %add3A_625 = arith.constant 1792 : i32
    %add3A_626 = vector.broadcast %add3A_625 : i32 to vector<16xi32>
    %add3A_627 = arith.addi %get3A_624, %add3A_626 : vector<16xi32>
    %gather3A_628 = tpu.vector_load_idx %arg5[%add3A_627] : memref<2048xf32, #tpu.memory_space<vmem>>[vector<16xi32>], vector<16xf32>,
    %swap3A_629 = arith.constant 14 : i32
    %swap3A_630 = arith.index_cast %swap3A_629 : i32 to index
    %swap3A_631 = arith.constant 16 : index
    %swap3A_632 = tpu.vector_load %arg7[%swap3A_630, %swap3A_631] {strides = array<i32>} : memref<16x64xf32, #tpu.memory_space<vmem>>, vector<16xf32>,
    tpu.vector_store %arg7[%swap3A_630, %swap3A_631], %gather3A_628 {strides = array<i32>} : memref<16x64xf32, #tpu.memory_space<vmem>>, vector<16xf32>,
    %get3A_633 = arith.constant 928 : index
    %get3A_634 = tpu.vector_load %arg6[%get3A_633] {strides = array<i32>} : memref<1024xi32, #tpu.memory_space<vmem>>, vector<16xi32>,
    %add3A_635 = arith.constant 1792 : i32
    %add3A_636 = vector.broadcast %add3A_635 : i32 to vector<16xi32>
    %add3A_637 = arith.addi %get3A_634, %add3A_636 : vector<16xi32>
    %gather3A_638 = tpu.vector_load_idx %arg5[%add3A_637] : memref<2048xf32, #tpu.memory_space<vmem>>[vector<16xi32>], vector<16xf32>,
    %swap3A_639 = arith.constant 14 : i32
    %swap3A_640 = arith.index_cast %swap3A_639 : i32 to index
    %swap3A_641 = arith.constant 32 : index
    %swap3A_642 = tpu.vector_load %arg7[%swap3A_640, %swap3A_641] {strides = array<i32>} : memref<16x64xf32, #tpu.memory_space<vmem>>, vector<16xf32>,
    tpu.vector_store %arg7[%swap3A_640, %swap3A_641], %gather3A_638 {strides = array<i32>} : memref<16x64xf32, #tpu.memory_space<vmem>>, vector<16xf32>,
    %get3A_643 = arith.constant 944 : index
    %get3A_644 = tpu.vector_load %arg6[%get3A_643] {strides = array<i32>} : memref<1024xi32, #tpu.memory_space<vmem>>, vector<16xi32>,
    %add3A_645 = arith.constant 1792 : i32
    %add3A_646 = vector.broadcast %add3A_645 : i32 to vector<16xi32>
    %add3A_647 = arith.addi %get3A_644, %add3A_646 : vector<16xi32>
    %gather3A_648 = tpu.vector_load_idx %arg5[%add3A_647] : memref<2048xf32, #tpu.memory_space<vmem>>[vector<16xi32>], vector<16xf32>,
    %swap3A_649 = arith.constant 14 : i32
    %swap3A_650 = arith.index_cast %swap3A_649 : i32 to index
    %swap3A_651 = arith.constant 48 : index
    %swap3A_652 = tpu.vector_load %arg7[%swap3A_650, %swap3A_651] {strides = array<i32>} : memref<16x64xf32, #tpu.memory_space<vmem>>, vector<16xf32>,
    tpu.vector_store %arg7[%swap3A_650, %swap3A_651], %gather3A_648 {strides = array<i32>} : memref<16x64xf32, #tpu.memory_space<vmem>>, vector<16xf32>,
    %get3A_653 = arith.constant 960 : index
    %get3A_654 = tpu.vector_load %arg6[%get3A_653] {strides = array<i32>} : memref<1024xi32, #tpu.memory_space<vmem>>, vector<16xi32>,
    %add3A_655 = arith.constant 1920 : i32
    %add3A_656 = vector.broadcast %add3A_655 : i32 to vector<16xi32>
    %add3A_657 = arith.addi %get3A_654, %add3A_656 : vector<16xi32>
    %gather3A_658 = tpu.vector_load_idx %arg5[%add3A_657] : memref<2048xf32, #tpu.memory_space<vmem>>[vector<16xi32>], vector<16xf32>,
    %swap3A_659 = arith.constant 15 : i32
    %swap3A_660 = arith.index_cast %swap3A_659 : i32 to index
    %swap3A_661 = arith.constant 0 : index
    %swap3A_662 = tpu.vector_load %arg7[%swap3A_660, %swap3A_661] {strides = array<i32>} : memref<16x64xf32, #tpu.memory_space<vmem>>, vector<16xf32>,
    tpu.vector_store %arg7[%swap3A_660, %swap3A_661], %gather3A_658 {strides = array<i32>} : memref<16x64xf32, #tpu.memory_space<vmem>>, vector<16xf32>,
    %get3A_663 = arith.constant 976 : index
    %get3A_664 = tpu.vector_load %arg6[%get3A_663] {strides = array<i32>} : memref<1024xi32, #tpu.memory_space<vmem>>, vector<16xi32>,
    %add3A_665 = arith.constant 1920 : i32
    %add3A_666 = vector.broadcast %add3A_665 : i32 to vector<16xi32>
    %add3A_667 = arith.addi %get3A_664, %add3A_666 : vector<16xi32>
    %gather3A_668 = tpu.vector_load_idx %arg5[%add3A_667] : memref<2048xf32, #tpu.memory_space<vmem>>[vector<16xi32>], vector<16xf32>,
    %swap3A_669 = arith.constant 15 : i32
    %swap3A_670 = arith.index_cast %swap3A_669 : i32 to index
    %swap3A_671 = arith.constant 16 : index
    %swap3A_672 = tpu.vector_load %arg7[%swap3A_670, %swap3A_671] {strides = array<i32>} : memref<16x64xf32, #tpu.memory_space<vmem>>, vector<16xf32>,
    tpu.vector_store %arg7[%swap3A_670, %swap3A_671], %gather3A_668 {strides = array<i32>} : memref<16x64xf32, #tpu.memory_space<vmem>>, vector<16xf32>,
    %get3A_673 = arith.constant 992 : index
    %get3A_674 = tpu.vector_load %arg6[%get3A_673] {strides = array<i32>} : memref<1024xi32, #tpu.memory_space<vmem>>, vector<16xi32>,
    %add3A_675 = arith.constant 1920 : i32
    %add3A_676 = vector.broadcast %add3A_675 : i32 to vector<16xi32>
    %add3A_677 = arith.addi %get3A_674, %add3A_676 : vector<16xi32>
    %gather3A_678 = tpu.vector_load_idx %arg5[%add3A_677] : memref<2048xf32, #tpu.memory_space<vmem>>[vector<16xi32>], vector<16xf32>,
    %swap3A_679 = arith.constant 15 : i32
    %swap3A_680 = arith.index_cast %swap3A_679 : i32 to index
    %swap3A_681 = arith.constant 32 : index
    %swap3A_682 = tpu.vector_load %arg7[%swap3A_680, %swap3A_681] {strides = array<i32>} : memref<16x64xf32, #tpu.memory_space<vmem>>, vector<16xf32>,
    tpu.vector_store %arg7[%swap3A_680, %swap3A_681], %gather3A_678 {strides = array<i32>} : memref<16x64xf32, #tpu.memory_space<vmem>>, vector<16xf32>,
    %get3A_683 = arith.constant 1008 : index
    %get3A_684 = tpu.vector_load %arg6[%get3A_683] {strides = array<i32>} : memref<1024xi32, #tpu.memory_space<vmem>>, vector<16xi32>,
    %add3A_685 = arith.constant 1920 : i32
    %add3A_686 = vector.broadcast %add3A_685 : i32 to vector<16xi32>
    %add3A_687 = arith.addi %get3A_684, %add3A_686 : vector<16xi32>
    %gather3A_688 = tpu.vector_load_idx %arg5[%add3A_687] : memref<2048xf32, #tpu.memory_space<vmem>>[vector<16xi32>], vector<16xf32>,
    %swap3A_689 = arith.constant 15 : i32
    %swap3A_690 = arith.index_cast %swap3A_689 : i32 to index
    %swap3A_691 = arith.constant 48 : index
    %swap3A_692 = tpu.vector_load %arg7[%swap3A_690, %swap3A_691] {strides = array<i32>} : memref<16x64xf32, #tpu.memory_space<vmem>>, vector<16xf32>,
    tpu.vector_store %arg7[%swap3A_690, %swap3A_691], %gather3A_688 {strides = array<i32>} : memref<16x64xf32, #tpu.memory_space<vmem>>, vector<16xf32>,
    %add3A_693 = arith.constant 8 : i32
    %add3A_694 = arith.addi %mul3A_41, %add3A_693 : i32
    %dma_start3A_695 = arith.constant 8 : i32
    %dma_start3A_696 = arith.constant 0 : i32
    %dma_start3A_697 = tpu.memref_slice %arg7[%dma_start3A_695, %dma_start3A_696] : memref<16x64xf32, #tpu.memory_space<vmem>> -> memref<8x64xf32, #tpu.memory_space<vmem>>
    %dma_start3A_698 = arith.constant 0 : i32
    %dma_start3A_699 = tpu.memref_slice %arg4[%select_n3A, %add3A_694, %dma_start3A_698] : memref<8x32x64xf32, #tpu.memory_space<hbm>> -> memref<1x8x64xf32, #tpu.memory_space<hbm>>
    %dma_start3A_700 = tpu.memref_squeeze %dma_start3A_699 : memref<1x8x64xf32, #tpu.memory_space<hbm>> -> memref<8x64xf32, #tpu.memory_space<hbm>>
    %dma_start3A_701 = arith.constant 0 : i32
    %dma_start3A_702 = tpu.memref_slice %arg4[%select_n3A, %add3A_694, %dma_start3A_701] : memref<8x32x64xf32, #tpu.memory_space<hbm>> -> memref<1x8x64xf32, #tpu.memory_space<hbm>>
    %dma_start3A_703 = tpu.memref_squeeze %dma_start3A_702 : memref<1x8x64xf32, #tpu.memory_space<hbm>> -> memref<8x64xf32, #tpu.memory_space<hbm>>
    %dma_start3A_704 = arith.constant 8 : i32
    %dma_start3A_705 = arith.constant 0 : i32
    %dma_start3A_706 = tpu.memref_slice %arg7[%dma_start3A_704, %dma_start3A_705] : memref<16x64xf32, #tpu.memory_space<vmem>> -> memref<8x64xf32, #tpu.memory_space<vmem>>
    tpu.enqueue_dma source(%dma_start3A_706 : memref<8x64xf32, #tpu.memory_space<vmem>>) target(%dma_start3A_703 : memref<8x64xf32, #tpu.memory_space<hbm>>) target_semaphore(%arg10 : memref<!tpu.dma_semaphore, #tpu.memory_space<semaphore_mem>>)
    %dma_wait3A_707 = arith.constant 0 : i32
    %dma_wait3A_708 = arith.constant 0 : i32
    %dma_wait3A_709 = tpu.memref_slice %arg7[%dma_wait3A_707, %dma_wait3A_708] : memref<16x64xf32, #tpu.memory_space<vmem>> -> memref<8x64xf32, #tpu.memory_space<vmem>>
    %dma_wait3A_710 = arith.constant 0 : i32
    %dma_wait3A_711 = tpu.memref_slice %arg4[%select_n3A, %add3A_360, %dma_wait3A_710] : memref<8x32x64xf32, #tpu.memory_space<hbm>> -> memref<1x8x64xf32, #tpu.memory_space<hbm>>
    %dma_wait3A_712 = tpu.memref_squeeze %dma_wait3A_711 : memref<1x8x64xf32, #tpu.memory_space<hbm>> -> memref<8x64xf32, #tpu.memory_space<hbm>>
    %dma_wait3A_713 = arith.constant 0 : i32
    %dma_wait3A_714 = tpu.memref_slice %arg4[%select_n3A, %add3A_360, %dma_wait3A_713] : memref<8x32x64xf32, #tpu.memory_space<hbm>> -> memref<1x8x64xf32, #tpu.memory_space<hbm>>
    %dma_wait3A_715 = tpu.memref_squeeze %dma_wait3A_714 : memref<1x8x64xf32, #tpu.memory_space<hbm>> -> memref<8x64xf32, #tpu.memory_space<hbm>>
    %dma_wait3A_716 = arith.constant 0 : i32
    %dma_wait3A_717 = arith.constant 0 : i32
    %dma_wait3A_718 = tpu.memref_slice %arg7[%dma_wait3A_716, %dma_wait3A_717] : memref<16x64xf32, #tpu.memory_space<vmem>> -> memref<8x64xf32, #tpu.memory_space<vmem>>
    tpu.wait_dma2 semaphore(%arg10 : memref<!tpu.dma_semaphore, #tpu.memory_space<semaphore_mem>>) src(%dma_wait3A_718 : memref<8x64xf32, #tpu.memory_space<vmem>>) dst(%dma_wait3A_715 : memref<8x64xf32, #tpu.memory_space<hbm>>)
    %dma_wait3A_719 = arith.constant 8 : i32
    %dma_wait3A_720 = arith.constant 0 : i32
    %dma_wait3A_721 = tpu.memref_slice %arg7[%dma_wait3A_719, %dma_wait3A_720] : memref<16x64xf32, #tpu.memory_space<vmem>> -> memref<8x64xf32, #tpu.memory_space<vmem>>
    %dma_wait3A_722 = arith.constant 0 : i32
    %dma_wait3A_723 = tpu.memref_slice %arg4[%select_n3A, %add3A_694, %dma_wait3A_722] : memref<8x32x64xf32, #tpu.memory_space<hbm>> -> memref<1x8x64xf32, #tpu.memory_space<hbm>>
    %dma_wait3A_724 = tpu.memref_squeeze %dma_wait3A_723 : memref<1x8x64xf32, #tpu.memory_space<hbm>> -> memref<8x64xf32, #tpu.memory_space<hbm>>
    %dma_wait3A_725 = arith.constant 0 : i32
    %dma_wait3A_726 = tpu.memref_slice %arg4[%select_n3A, %add3A_694, %dma_wait3A_725] : memref<8x32x64xf32, #tpu.memory_space<hbm>> -> memref<1x8x64xf32, #tpu.memory_space<hbm>>
    %dma_wait3A_727 = tpu.memref_squeeze %dma_wait3A_726 : memref<1x8x64xf32, #tpu.memory_space<hbm>> -> memref<8x64xf32, #tpu.memory_space<hbm>>
    %dma_wait3A_728 = arith.constant 8 : i32
    %dma_wait3A_729 = arith.constant 0 : i32
    %dma_wait3A_730 = tpu.memref_slice %arg7[%dma_wait3A_728, %dma_wait3A_729] : memref<16x64xf32, #tpu.memory_space<vmem>> -> memref<8x64xf32, #tpu.memory_space<vmem>>
    tpu.wait_dma2 semaphore(%arg10 : memref<!tpu.dma_semaphore, #tpu.memory_space<semaphore_mem>>) src(%dma_wait3A_730 : memref<8x64xf32, #tpu.memory_space<vmem>>) dst(%dma_wait3A_727 : memref<8x64xf32, #tpu.memory_space<hbm>>)
    return
  }
}

</mosaic_0001>

<sc_bundles>
// kernel: kernel.3.cloned.1.call-start
scs
__scs_entry_jumppad:
0x0: {  	(pc) =	sbr.rel $0x88, $3  }
0x1: {  	(tag) =	ssettag $0x0;
	lr =	simm.s32 $0x1  }
0x2: {  	[smem:$0x3F9F] =	sst lr;
	_ =	strace $0xD0000000  }
0x3: {  	_ = 	snop  }
0x4: {  	_ = 	snop  }
0x5: {  	_ = 	snop  }
0x6: {  	_ = 	snop  }
0x7: {  	_ = 	snop  }
__scs_overlays_trampoline_lowered:
0x8: {  	[smem:$0x3FAE] =	sst s0  }
0x9: {  	[smem:$0x3FAF] =	sst s1  }
0xa: {  	[smem:$0x3FB0] =	sst s2  }
0xb: {  	[smem:$0x3FB1] =	sst s3  }
0xc: {  	[smem:$0x3FB2] =	sst s4  }
0xd: {  	[smem:$0x3FB3] =	sst s5  }
0xe: {  	[smem:$0x3FB4] =	sst s6  }
0xf: {  	[smem:$0x3FB5] =	sst s7  }
0x10: {  	[smem:$0x3FB6] =	sst s8  }
0x11: {  	[smem:$0x3FB7] =	sst s9;
	s0 =	simm.s32 @!p0 $0x0  }
0x12: {  	s1 =	sld [smem:$0x3F9D];
	s0 =	simm.s32 @p0 $0x1  }
0x13: {  	[smem:$0x3FB8] =	sst s0;
	s0 =	simm.s32 @!p1 $0x0  }
0x14: {  	s2 =	sld [smem:$0x3F9C];
	s0 =	simm.s32 @p1 $0x1  }
0x15: {  	[smem:$0x3FB9] =	sst s0;
	s0 =	simm.s32 @!p2 $0x0  }
0x16: {  	s3 =	sld [smem:$0x3FDB];
	s0 =	simm.s32 @p2 $0x1  }
0x17: {  	s4 =	simm.s32 $0x1BF5;
	[smem:$0x3FBB] =	sst s0  }
0x18: {  	s0 =	sld [smem:$0x3F9E];
	_ =	swait.ge [sflag:s4], $0x0  }
0x19: {  	s7 =	sld [smem:$0x3F9F]  }
0x1a: {  	s8 =	sadd.s32 $0xFFFFE003, lr  }
0x1b: {  	s9 =	sadd.s32 $0xFFFFFEF7, lr;
	s5 =	simm.s32 $0xFFFFFFFF;
	p2 =	slt.u32 s8, $0xFFFFF086  }
0x1c: {  	p1 =	slt.u32 s9, $0xF7A;
	s5 =	simm.s32 @!p2 $0x0  }
0x1d: {  	s5 =	simm.s32 @p1 $0x1;
	p0 =	seq.s32 s7, s2  }
0x1e: {  	s7 =	smul.u32 @!p0 $0xF7A, s2;
	p2 =	seq.s32 @!p0 s5, $0x0  }
0x1f: {  	s9 =	smul.u32 $0xF7A, s1;
	s8 =	simm.s32 @!p0 $0x1BF5;
	p2 =	por !p2, p0  }
0x20: {  	[sflag:s8] =	ssyncset.s32 @!p0 $0xFFFFF086;
	s6 =	sadd.s32 @!p0 s3, s7;
	s7 =	simm.s32 @!p0 $0x108  }
0x21: {  	s3 =	sadd.s32 s3, s9;
	s6 =	sadd.s32 @!p0 $0x88, s6;
	s7 =	simm.s32 @p2 $0x1082  }
0x22: {  	[simem:s7], [sflag:s8] =	dma.local @!p0 [hbm:s6], $0xF7A  }
0x23: {  	s9 =	sor.u32 $0xD0000000, s2;
	s6 =	simm.s32 $0x108;
	_ =	swait.ge @!p0 [sflag:s8], $0x0  }
0x24: {  	s3 =	sadd.s32 $0x88, s3;
	s6 =	simm.s32 @!p1 $0x1082;
	[sflag:s4] =	ssyncset.s32 $0xFFFFF086  }
0x25: {  	[simem:s6], [sflag:s4] =	dma.local [hbm:s3], $0xF7A  }
0x26: {  	[smem:$0x3F9F] =	sst s1;
	(tag) =	ssettag s2;
	_ =	strace s9  }
0x27: {  	s1 =	sld [smem:$0x3FAF]  }
0x28: {  	s2 =	sld [smem:$0x3FB0]  }
0x29: {  	s4 =	sld [smem:$0x3FB2]  }
0x2a: {  	p0 =	seq.s32 s5, $0x0;
	s5 =	sld [smem:$0x3FB3]  }
0x2b: {  	s6 =	sld [smem:$0x3FB4]  }
0x2c: {  	s7 =	sld [smem:$0x3FB5]  }
0x2d: {  	s3 =	simm.s32 $0x108;
	s8 =	sld [smem:$0x3FB6]  }
0x2e: {  	s3 =	simm.s32 @!p0 $0x1082;
	s9 =	sld [smem:$0x3FB7]  }
0x2f: {  	lr =	sadd.s32 s0, s3;
	s0 =	sld [smem:$0x3FAE]  }
0x30: {  	s3 =	sld [smem:$0x3FB1]  }
0x31: {  	[smem:$0x3FBA] =	sst s10  }
0x32: {  	s10 =	sld [smem:$0x3FB8];
	_ =	sdelay $0x3  }
0x33: {  	p0 =	seq.s32 s10, $0x1;
	s10 =	sld [smem:$0x3FBA];
	_ =	sdelay $0x3  }
0x34: {  	[smem:$0x3FBA] =	sst s10  }
0x35: {  	s10 =	sld [smem:$0x3FB9];
	_ =	sdelay $0x3  }
0x36: {  	p1 =	seq.s32 s10, $0x1;
	s10 =	sld [smem:$0x3FBA];
	_ =	sdelay $0x3  }
0x37: {  	[smem:$0x3FBA] =	sst s10  }
0x38: {  	s10 =	sld [smem:$0x3FBB]  }
0x39: {  	_ = 	snop;
	(pc) =	sbr.ind lr, $3  }
0x3a: {  	_ = 	snop  }
0x3b: {  	_ = 	snop  }
0x3c: {  	p2 =	seq.s32 s10, $0x1;
	s10 =	sld [smem:$0x3FBA]  }
0x3d: {  	_ =	shalt  }
0x3e: {  	_ =	shalt  }
0x3f: {  	_ =	shalt  }
0x40: {  	_ =	shalt  }
0x41: {  	_ =	shalt  }
0x42: {  	_ =	shalt  }
0x43: {  	_ =	shalt  }
0x44: {  	_ =	shalt  }
0x45: {  	_ =	shalt  }
0x46: {  	_ =	shalt  }
0x47: {  	_ =	shalt  }
0x48: {  	_ =	shalt  }
0x49: {  	_ =	shalt  }
0x4a: {  	_ =	shalt  }
0x4b: {  	_ =	shalt  }
0x4c: {  	_ =	shalt  }
0x4d: {  	_ =	shalt  }
0x4e: {  	_ =	shalt  }
0x4f: {  	_ =	shalt  }
0x50: {  	_ =	shalt  }
0x51: {  	_ =	shalt  }
0x52: {  	_ =	shalt  }
0x53: {  	_ =	shalt  }
0x54: {  	_ =	shalt  }
0x55: {  	_ =	shalt  }
0x56: {  	_ =	shalt  }
0x57: {  	_ =	shalt  }
0x58: {  	_ =	shalt  }
0x59: {  	_ =	shalt  }
0x5a: {  	_ =	shalt  }
0x5b: {  	_ =	shalt  }
0x5c: {  	_ =	shalt  }
0x5d: {  	_ =	shalt  }
0x5e: {  	_ =	shalt  }
0x5f: {  	_ =	shalt  }
0x60: {  	_ =	shalt  }
0x61: {  	_ =	shalt  }
0x62: {  	_ =	shalt  }
0x63: {  	_ =	shalt  }
0x64: {  	_ =	shalt  }
0x65: {  	_ =	shalt  }
0x66: {  	_ =	shalt  }
0x67: {  	_ =	shalt  }
0x68: {  	_ =	shalt  }
0x69: {  	_ =	shalt  }
0x6a: {  	_ =	shalt  }
0x6b: {  	_ =	shalt  }
0x6c: {  	_ =	shalt  }
0x6d: {  	_ =	shalt  }
0x6e: {  	_ =	shalt  }
0x6f: {  	_ =	shalt  }
0x70: {  	_ =	shalt  }
0x71: {  	_ =	shalt  }
0x72: {  	_ =	shalt  }
0x73: {  	_ =	shalt  }
0x74: {  	_ =	shalt  }
0x75: {  	_ =	shalt  }
0x76: {  	_ =	shalt  }
0x77: {  	_ =	shalt  }
0x78: {  	_ =	shalt  }
0x79: {  	_ =	shalt  }
0x7a: {  	_ =	shalt  }
0x7b: {  	_ =	shalt  }
0x7c: {  	_ =	shalt  }
0x7d: {  	_ =	shalt  }
0x7e: {  	_ =	shalt  }
0x7f: {  	_ =	shalt  }
0x80: {  	_ =	shalt  }
0x81: {  	_ =	shalt  }
0x82: {  	_ =	shalt  }
0x83: {  	_ =	shalt  }
0x84: {  	_ =	shalt  }
0x85: {  	_ =	shalt  }
0x86: {  	_ =	shalt  }
0x87: {  	_ =	shalt  }
.Lfunc_end0:
.L_simem_size_0:
called_computation_lowered:
.L_overlay_start_0:
0x88: {  	s0 =	sld [smem:$0x3FD9]  }
0x89: {  	s1 =	sld [smem:$0x3FFE];
	_ =	sdelay $0x3  }
0x8a: {  	s0 =	sadd.s32 s1, s0  }
0x8b: {  	[smem:$0x3FC6] =	sst s0  }
0x8c: {  	_ = 	snop  }
0x8d: {  	s0 =	sld [smem:$0x3FD0];
	(tm) =	ssettm $0x1  }
0x8e: {  	s16 =	sld [smem:$0x3FFB];
	_ =	sdelay $0x3  }
0x8f: {  	_ =	strace s16  }
0x90: {  	s1 =	sld [smem:$0x3FFC];
	_ =	sdelay $0x3  }
0x91: {  	_ =	strace s1  }
0x92: {  	s1 =	sld [smem:$0x3FFD];
	_ =	sdelay $0x3  }
0x93: {  	_ =	strace s1  }
0x94: {  	_ =	strace $0x8FFFFFFF  }
0x95: {  	s17 =	sld [smem:$0x3FDB];
	_ =	sdelay $0x1  }
0x96: {  	s2 =	simm.s32 $_scs_section_size  }
0x97: {  	s3 =	simm.s32 $_size__tile_overlayer_lowered;
	s4 =	simm.s32 $_tile_overlayer_lowered  }
0x98: {  	s20 =	simm.s32 $0x1BFF;
	s19 =	sshll.u32 s4, $0x1;
	s1 =	sadd.s32 s2, s17  }
0x99: {  	s5 =	simm.s32 $0x0;
	s18 =	sshll.u32 s3, $0x1;
	s3 =	sadd.s32 s19, s1  }
0x9a: {  	[timem:s5], [sflag:s20] =	dma.local [hbm:s3], s18  }
0x9b: {  	_ =	swait.ge [sflag:s20], s18  }
0x9c: {  	s2 =	ssub.s32 $0x0, s18;
	[sflag:s20] =	ssyncset.done $0x0  }
0x9d: {  	[sflag:s20] =	ssyncadd.s32 s2;
	_ =	sdelay $0x1  }
0x9e: {  	s21 =	simm.s32 $0x1B8B  }
0x9f: {  	_ =	swait.ge [sflag:s21], $0x1  }
0xa0: {  	[sflag:s21] =	ssyncset.done $0x0  }
0xa1: {  	s23 =	simm.s32 $0x1B8E;
	s22 =	sld [smem:$0x3FFE];
	[sflag:s21] =	ssyncadd.s32 $0xFFFFFFFF  }
0xa2: {  	s24 =	simm.s32 $execute0_lowered;
	[smem:$0x3FD2] =	sst s23  }
0xa3: {  	s3 =	sshll.u32 s24, $0x1;
	_ =	strace $0x80000046;
	[dreg:$0x1] =	wrdreg $0xFFFFFFFF  }
0xa4: {  	s25 =	simm.s32 $_size_execute0_lowered;
	s1 =	sadd.s32 s1, s3;
	[dreg:$0x0] =	wrdreg $0x0  }
0xa5: {  	s3 =	sshll.u32 s25, $0x1;
	[dreg:$0x2] =	wrdreg s1  }
0xa6: {  	[dreg:$0x3] =	wrdreg s3  }
0xa7: {  	[dreg:$0x4] =	wrdreg $0xC0  }
0xa8: {  	_ =	task [dreg:s5], $0x5FFFF  }
0xa9: {  	[dreg:$0x1] =	wrdreg $0xFFFFFFFF  }
0xaa: {  	[dreg:$0x0] =	wrdreg $0x60  }
0xab: {  	[dreg:$0x2] =	wrdreg s22  }
0xac: {  	[dreg:$0x3] =	wrdreg s0  }
0xad: {  	[dreg:$0x4] =	wrdreg $0x9  }
0xae: {  	_ =	task.clear_ibuf [dreg:s5], $0x5FFFF;
	_ =	strace $0x90000046  }
0xaf: {  	s26 =	simm.s32 $0x9;
	_ =	strace $0x80000048  }
0xb0: {  	_ =	swait.ge [sflag:s26], $0x1  }
0xb1: {  	[sflag:s26] =	ssyncadd.s32 $0xFFFFFFFF  }
0xb2: {  	_ =	strace $0x90000048  }
0xb3: {  	_ =	sfence  }
0xb4: {  	s28 =	sld [smem:$0x0];
	_ =	sdelay $0x1  }
0xb5: {  	s29 =	srdreg.scid  }
0xb6: {  	s30 =	sshll.u32 s29, $0xD;
	s31 =	sshrl.u32 s29, $0x2  }
0xb7: {  	s2 =	sand.u32 $0x4000, s30;
	s1 =	sand.u32 $0x1, s29;
	s0 =	sadd.s32 s31, s28  }
0xb8: {  	s1 =	sor.u32 s2, s1;
	s0 =	sshll.u32 s0, $0x11  }
0xb9: {  	s0 =	sor.u32 s0, s1  }
0xba: {  	s0 =	sadd.s32 $0x8F2B, s0  }
0xbb: {  	[sflag:s0] =	ssyncadd.remote.s32 $0x1  }
0xbc: {  	_ =	sfence.sel $0xFFFF  }
0xbd: {  	[dreg:$0x0] =	wrdreg $0xFFFFFFFF;
	(pc) =	sbr.abs _section_cstart, $3  }
0xbe: {  	[dreg:$0x1] =	wrdreg $0xFFFFFFFF  }
0xbf: {  	_ =	task.clear_ibuf [dreg:s5], $0x2FFFF;
	_ =	strace $0x9FFFFFFF  }
0xc0: {  	(tm) =	ssettm $0x7FFFFFFF  }
0xc1: {  	_ =	shalt  }
tec
execute0_lowered:
.L_overlay_start_1:
0x0: {  	(tag) =	ssettag $0x1  }
0x1: {  	s3 =	rddreg [dreg:$0x0]  }
0x2: {  	s4 =	rddreg [dreg:$0x1];
	s1 =	stileid.u32  }
0x3: {  	s0 =	rddreg [dreg:$0x2];
	s2 =	simm.s32 $0x0;
	s5 =	sshll.u32 s1, $0x8  }
0x4: {  	[smem:$0x7FF] =	sst s2;
	s3 =	sadd.s32 s5, s3  }
0x5: {  	s6 =	sshll.u32 s1, $0x7;
	_ =	strace $0x80000047;
	s5 =	sadd.s32 $0x600, s3  }
0x6: {  	[tilespmem:s2], [sflag:$0x1] =	stream.linear.gather [hbm4b:s5+s2], $0x800, $0x38;
	[tilespmem:$0x1400] =	vst v63  }
0x7: {  	s24 =	simm.s32 $0x800;
	s25 =	simm.s32 $0x2;
	s4 =	sadd.s32 s4, s6  }
0x8: {  	[tilespmem:s24], [sflag:$0x2] =	stream.linear.gather [hbm4b:s4+s2], $0x400, $0x38;
	[tilespmem:$0x1400] =	vst v63  }
0x9: {  	_ =	swait.ge [sflag:s25], $0x400  }
0xa: {  	[sflag:s25] =	ssyncset.done $0x0  }
0xb: {  	s26 =	simm.s32 $0x1;
	[sflag:s25] =	ssyncadd.s32 $0xFFFFFC00  }
0xc: {  	_ =	swait.ge [sflag:s26], $0x800  }
0xd: {  	[sflag:s26] =	ssyncset.done $0x0  }
0xe: {  	[sflag:s26] =	ssyncadd.s32 $0xFFFFF800  }
0xf: {  	v0 =	vld [tilespmem:$0x800];
	_ =	sdelay $0x5  }
0x10: {  	v1 =	vld [tilespmem:$0x810];
	_ =	sdelay $0x1  }
0x11: {  	v0 =	vld.idx.msk [tilespmem:v0+s2+$0x0], $0xffff;
	_ =	sdelay $0x3  }
0x12: {  	v2 =	vld [tilespmem:$0x820]  }
0x13: {  	[tilespmem:$0xC00] =	vst v0  }
0x14: {  	v0 =	vld.idx.msk [tilespmem:v1+s2+$0x0], $0xffff;
	_ =	sdelay $0x3  }
0x15: {  	v5 =	vld [tilespmem:$0x830]  }
0x16: {  	[tilespmem:$0xC10] =	vst v0  }
0x17: {  	v0 =	vld.idx.msk [tilespmem:v2+s2+$0x0], $0xffff;
	_ =	sdelay $0x1  }
0x18: {  	v6 =	vld [tilespmem:$0x840];
	_ =	sdelay $0x2  }
0x19: {  	[tilespmem:$0xC20] =	vst v0  }
0x1a: {  	v0 =	vld.idx.msk [tilespmem:v5+s2+$0x0], $0xffff  }
0x1b: {  	v7 =	vadd.s32 $0x80, v6  }
0x1c: {  	v8 =	vld [tilespmem:$0x850];
	_ =	sdelay $0x2  }
0x1d: {  	[tilespmem:$0xC30] =	vst v0  }
0x1e: {  	v0 =	vld.idx.msk [tilespmem:v7+s2+$0x0], $0xffff  }
0x1f: {  	v9 =	vadd.s32 $0x80, v8  }
0x20: {  	v10 =	vld [tilespmem:$0x860];
	_ =	sdelay $0x2  }
0x21: {  	[tilespmem:$0xC80] =	vst v0  }
0x22: {  	v0 =	vld.idx.msk [tilespmem:v9+s2+$0x0], $0xffff  }
0x23: {  	v11 =	vadd.s32 $0x80, v10  }
0x24: {  	v12 =	vld [tilespmem:$0x870];
	_ =	sdelay $0x2  }
0x25: {  	[tilespmem:$0xC90] =	vst v0  }
0x26: {  	v0 =	vld.idx.msk [tilespmem:v11+s2+$0x0], $0xffff  }
0x27: {  	v13 =	vadd.s32 $0x80, v12  }
0x28: {  	v14 =	vld [tilespmem:$0x880];
	_ =	sdelay $0x2  }
0x29: {  	[tilespmem:$0xCA0] =	vst v0  }
0x2a: {  	v0 =	vld.idx.msk [tilespmem:v13+s2+$0x0], $0xffff  }
0x2b: {  	v15 =	vadd.s32 $0x100, v14  }
0x2c: {  	v16 =	vld [tilespmem:$0x890];
	_ =	sdelay $0x2  }
0x2d: {  	[tilespmem:$0xCB0] =	vst v0  }
0x2e: {  	v0 =	vld.idx.msk [tilespmem:v15+s2+$0x0], $0xffff  }
0x2f: {  	v17 =	vadd.s32 $0x100, v16  }
0x30: {  	v18 =	vld [tilespmem:$0x8A0];
	_ =	sdelay $0x2  }
0x31: {  	[tilespmem:$0xD00] =	vst v0  }
0x32: {  	v0 =	vld.idx.msk [tilespmem:v17+s2+$0x0], $0xffff  }
0x33: {  	v19 =	vadd.s32 $0x100, v18  }
0x34: {  	v20 =	vld [tilespmem:$0x8B0];
	_ =	sdelay $0x2  }
0x35: {  	[tilespmem:$0xD10] =	vst v0  }
0x36: {  	v0 =	vld.idx.msk [tilespmem:v19+s2+$0x0], $0xffff  }
0x37: {  	v21 =	vadd.s32 $0x100, v20  }
0x38: {  	v22 =	vld [tilespmem:$0x8C0];
	_ =	sdelay $0x2  }
0x39: {  	[tilespmem:$0xD20] =	vst v0  }
0x3a: {  	v0 =	vld.idx.msk [tilespmem:v21+s2+$0x0], $0xffff  }
0x3b: {  	v23 =	vadd.s32 $0x180, v22  }
0x3c: {  	v24 =	vld [tilespmem:$0x8D0];
	_ =	sdelay $0x2  }
0x3d: {  	[tilespmem:$0xD30] =	vst v0  }
0x3e: {  	v0 =	vld.idx.msk [tilespmem:v23+s2+$0x0], $0xffff  }
0x3f: {  	v25 =	vadd.s32 $0x180, v24  }
0x40: {  	v26 =	vld [tilespmem:$0x8E0];
	_ =	sdelay $0x2  }
0x41: {  	[tilespmem:$0xD80] =	vst v0  }
0x42: {  	v0 =	vld.idx.msk [tilespmem:v25+s2+$0x0], $0xffff  }
0x43: {  	v27 =	vadd.s32 $0x180, v26  }
0x44: {  	v28 =	vld [tilespmem:$0x8F0];
	_ =	sdelay $0x2  }
0x45: {  	[tilespmem:$0xD90] =	vst v0  }
0x46: {  	v0 =	vld.idx.msk [tilespmem:v27+s2+$0x0], $0xffff  }
0x47: {  	v29 =	vadd.s32 $0x180, v28  }
0x48: {  	v30 =	vld [tilespmem:$0x900];
	_ =	sdelay $0x2  }
0x49: {  	[tilespmem:$0xDA0] =	vst v0  }
0x4a: {  	v0 =	vld.idx.msk [tilespmem:v29+s2+$0x0], $0xffff  }
0x4b: {  	v31 =	vadd.s32 $0x200, v30  }
0x4c: {  	v32 =	vld [tilespmem:$0x910];
	_ =	sdelay $0x2  }
0x4d: {  	[tilespmem:$0xDB0] =	vst v0  }
0x4e: {  	v0 =	vld.idx.msk [tilespmem:v31+s2+$0x0], $0xffff  }
0x4f: {  	v33 =	vadd.s32 $0x200, v32  }
0x50: {  	v34 =	vld [tilespmem:$0x920];
	_ =	sdelay $0x2  }
0x51: {  	[tilespmem:$0xE00] =	vst v0  }
0x52: {  	v0 =	vld.idx.msk [tilespmem:v33+s2+$0x0], $0xffff  }
0x53: {  	v35 =	vadd.s32 $0x200, v34  }
0x54: {  	v36 =	vld [tilespmem:$0x930];
	_ =	sdelay $0x2  }
0x55: {  	[tilespmem:$0xE10] =	vst v0  }
0x56: {  	v0 =	vld.idx.msk [tilespmem:v35+s2+$0x0], $0xffff  }
0x57: {  	v37 =	vadd.s32 $0x200, v36  }
0x58: {  	v38 =	vld [tilespmem:$0x940];
	_ =	sdelay $0x2  }
0x59: {  	[tilespmem:$0xE20] =	vst v0  }
0x5a: {  	v0 =	vld.idx.msk [tilespmem:v37+s2+$0x0], $0xffff  }
0x5b: {  	v39 =	vadd.s32 $0x280, v38  }
0x5c: {  	v40 =	vld [tilespmem:$0x950];
	_ =	sdelay $0x2  }
0x5d: {  	[tilespmem:$0xE30] =	vst v0  }
0x5e: {  	v0 =	vld.idx.msk [tilespmem:v39+s2+$0x0], $0xffff  }
0x5f: {  	v41 =	vadd.s32 $0x280, v40  }
0x60: {  	v42 =	vld [tilespmem:$0x960];
	_ =	sdelay $0x2  }
0x61: {  	[tilespmem:$0xE80] =	vst v0  }
0x62: {  	v0 =	vld.idx.msk [tilespmem:v41+s2+$0x0], $0xffff  }
0x63: {  	v43 =	vadd.s32 $0x280, v42  }
0x64: {  	v44 =	vld [tilespmem:$0x970];
	_ =	sdelay $0x2  }
0x65: {  	[tilespmem:$0xE90] =	vst v0  }
0x66: {  	v0 =	vld.idx.msk [tilespmem:v43+s2+$0x0], $0xffff  }
0x67: {  	v45 =	vadd.s32 $0x280, v44  }
0x68: {  	v46 =	vld [tilespmem:$0x980];
	_ =	sdelay $0x2  }
0x69: {  	[tilespmem:$0xEA0] =	vst v0  }
0x6a: {  	v0 =	vld.idx.msk [tilespmem:v45+s2+$0x0], $0xffff  }
0x6b: {  	v47 =	vadd.s32 $0x300, v46  }
0x6c: {  	v48 =	vld [tilespmem:$0x990];
	_ =	sdelay $0x2  }
0x6d: {  	[tilespmem:$0xEB0] =	vst v0  }
0x6e: {  	v0 =	vld.idx.msk [tilespmem:v47+s2+$0x0], $0xffff  }
0x6f: {  	v49 =	vadd.s32 $0x300, v48  }
0x70: {  	v50 =	vld [tilespmem:$0x9A0];
	_ =	sdelay $0x2  }
0x71: {  	[tilespmem:$0xF00] =	vst v0  }
0x72: {  	v0 =	vld.idx.msk [tilespmem:v49+s2+$0x0], $0xffff  }
0x73: {  	v51 =	vadd.s32 $0x300, v50  }
0x74: {  	v52 =	vld [tilespmem:$0x9B0];
	_ =	sdelay $0x2  }
0x75: {  	[tilespmem:$0xF10] =	vst v0  }
0x76: {  	v0 =	vld.idx.msk [tilespmem:v51+s2+$0x0], $0xffff  }
0x77: {  	v53 =	vadd.s32 $0x300, v52  }
0x78: {  	v54 =	vld [tilespmem:$0x9C0];
	_ =	sdelay $0x2  }
0x79: {  	[tilespmem:$0xF20] =	vst v0  }
0x7a: {  	v0 =	vld.idx.msk [tilespmem:v53+s2+$0x0], $0xffff  }
0x7b: {  	v55 =	vadd.s32 $0x380, v54  }
0x7c: {  	v56 =	vld [tilespmem:$0x9D0];
	_ =	sdelay $0x2  }
0x7d: {  	[tilespmem:$0xF30] =	vst v0  }
0x7e: {  	v0 =	vld.idx.msk [tilespmem:v55+s2+$0x0], $0xffff  }
0x7f: {  	v57 =	vadd.s32 $0x380, v56  }
0x80: {  	v58 =	vld [tilespmem:$0x9E0];
	_ =	sdelay $0x2  }
0x81: {  	[tilespmem:$0xF80] =	vst v0  }
0x82: {  	v0 =	vld.idx.msk [tilespmem:v57+s2+$0x0], $0xffff  }
0x83: {  	v59 =	vadd.s32 $0x380, v58  }
0x84: {  	v60 =	vld [tilespmem:$0x9F0];
	_ =	sdelay $0x2  }
0x85: {  	[tilespmem:$0xF90] =	vst v0  }
0x86: {  	v0 =	vld.idx.msk [tilespmem:v59+s2+$0x0], $0xffff  }
0x87: {  	v61 =	vadd.s32 $0x380, v60;
	_ =	sdelay $0x3  }
0x88: {  	[tilespmem:$0xFA0] =	vst v0  }
0x89: {  	v0 =	vld.idx.msk [tilespmem:v61+s2+$0x0], $0xffff;
	_ =	sdelay $0x4  }
0x8a: {  	s29 =	simm.s32 $0xC00;
	s28 =	sadd.s32 $0x1600, s3;
	[tilespmem:$0xFB0] =	vst v0  }
0x8b: {  	[hbm4b:s28+s2] =	stream.linear.scatter [tilespmem:s29], [sflag:$0x3], $0x400, $0x38;
	[tilespmem:$0x1400] =	vst v63  }
0x8c: {  	v62 =	vld [tilespmem:$0xA00];
	_ =	sdelay $0x4  }
0x8d: {  	v0 =	vadd.s32 $0x400, v62  }
0x8e: {  	v63 =	vld [tilespmem:$0xA10];
	_ =	sdelay $0x3  }
0x8f: {  	v0 =	vld.idx.msk [tilespmem:v0+s2+$0x0], $0xffff  }
0x90: {  	v1 =	vadd.s32 $0x400, v63  }
0x91: {  	v4 =	vld [tilespmem:$0xA20];
	_ =	sdelay $0x2  }
0x92: {  	[tilespmem:$0x1000] =	vst v0  }
0x93: {  	v0 =	vld.idx.msk [tilespmem:v1+s2+$0x0], $0xffff  }
0x94: {  	v5 =	vadd.s32 $0x400, v4  }
0x95: {  	v6 =	vld [tilespmem:$0xA30];
	_ =	sdelay $0x2  }
0x96: {  	[tilespmem:$0x1010] =	vst v0  }
0x97: {  	v0 =	vld.idx.msk [tilespmem:v5+s2+$0x0], $0xffff  }
0x98: {  	v7 =	vadd.s32 $0x400, v6  }
0x99: {  	v8 =	vld [tilespmem:$0xA40];
	_ =	sdelay $0x2  }
0x9a: {  	[tilespmem:$0x1020] =	vst v0  }
0x9b: {  	v0 =	vld.idx.msk [tilespmem:v7+s2+$0x0], $0xffff  }
0x9c: {  	v9 =	vadd.s32 $0x480, v8  }
0x9d: {  	v10 =	vld [tilespmem:$0xA50];
	_ =	sdelay $0x2  }
0x9e: {  	[tilespmem:$0x1030] =	vst v0  }
0x9f: {  	v0 =	vld.idx.msk [tilespmem:v9+s2+$0x0], $0xffff  }
0xa0: {  	v11 =	vadd.s32 $0x480, v10  }
0xa1: {  	v12 =	vld [tilespmem:$0xA60];
	_ =	sdelay $0x2  }
0xa2: {  	[tilespmem:$0x1080] =	vst v0  }
0xa3: {  	v0 =	vld.idx.msk [tilespmem:v11+s2+$0x0], $0xffff  }
0xa4: {  	v13 =	vadd.s32 $0x480, v12  }
0xa5: {  	v14 =	vld [tilespmem:$0xA70];
	_ =	sdelay $0x2  }
0xa6: {  	[tilespmem:$0x1090] =	vst v0  }
0xa7: {  	v0 =	vld.idx.msk [tilespmem:v13+s2+$0x0], $0xffff  }
0xa8: {  	v15 =	vadd.s32 $0x480, v14  }
0xa9: {  	v16 =	vld [tilespmem:$0xA80];
	_ =	sdelay $0x2  }
0xaa: {  	[tilespmem:$0x10A0] =	vst v0  }
0xab: {  	v0 =	vld.idx.msk [tilespmem:v15+s2+$0x0], $0xffff  }
0xac: {  	v17 =	vadd.s32 $0x500, v16  }
0xad: {  	v18 =	vld [tilespmem:$0xA90];
	_ =	sdelay $0x2  }
0xae: {  	[tilespmem:$0x10B0] =	vst v0  }
0xaf: {  	v0 =	vld.idx.msk [tilespmem:v17+s2+$0x0], $0xffff  }
0xb0: {  	v19 =	vadd.s32 $0x500, v18  }
0xb1: {  	v20 =	vld [tilespmem:$0xAA0];
	_ =	sdelay $0x2  }
0xb2: {  	[tilespmem:$0x1100] =	vst v0  }
0xb3: {  	v0 =	vld.idx.msk [tilespmem:v19+s2+$0x0], $0xffff  }
0xb4: {  	v21 =	vadd.s32 $0x500, v20  }
0xb5: {  	v22 =	vld [tilespmem:$0xAB0];
	_ =	sdelay $0x2  }
0xb6: {  	[tilespmem:$0x1110] =	vst v0  }
0xb7: {  	v0 =	vld.idx.msk [tilespmem:v21+s2+$0x0], $0xffff  }
0xb8: {  	v23 =	vadd.s32 $0x500, v22  }
0xb9: {  	v24 =	vld [tilespmem:$0xAC0];
	_ =	sdelay $0x2  }
0xba: {  	[tilespmem:$0x1120] =	vst v0  }
0xbb: {  	v0 =	vld.idx.msk [tilespmem:v23+s2+$0x0], $0xffff  }
0xbc: {  	v25 =	vadd.s32 $0x580, v24  }
0xbd: {  	v26 =	vld [tilespmem:$0xAD0];
	_ =	sdelay $0x2  }
0xbe: {  	[tilespmem:$0x1130] =	vst v0  }
0xbf: {  	v0 =	vld.idx.msk [tilespmem:v25+s2+$0x0], $0xffff  }
0xc0: {  	v27 =	vadd.s32 $0x580, v26  }
0xc1: {  	v28 =	vld [tilespmem:$0xAE0];
	_ =	sdelay $0x2  }
0xc2: {  	[tilespmem:$0x1180] =	vst v0  }
0xc3: {  	v0 =	vld.idx.msk [tilespmem:v27+s2+$0x0], $0xffff  }
0xc4: {  	v29 =	vadd.s32 $0x580, v28  }
0xc5: {  	v30 =	vld [tilespmem:$0xAF0];
	_ =	sdelay $0x2  }
0xc6: {  	[tilespmem:$0x1190] =	vst v0  }
0xc7: {  	v0 =	vld.idx.msk [tilespmem:v29+s2+$0x0], $0xffff  }
0xc8: {  	v31 =	vadd.s32 $0x580, v30  }
0xc9: {  	v32 =	vld [tilespmem:$0xB00];
	_ =	sdelay $0x2  }
0xca: {  	[tilespmem:$0x11A0] =	vst v0  }
0xcb: {  	v0 =	vld.idx.msk [tilespmem:v31+s2+$0x0], $0xffff  }
0xcc: {  	v33 =	vadd.s32 $0x600, v32  }
0xcd: {  	v34 =	vld [tilespmem:$0xB10];
	_ =	sdelay $0x2  }
0xce: {  	[tilespmem:$0x11B0] =	vst v0  }
0xcf: {  	v0 =	vld.idx.msk [tilespmem:v33+s2+$0x0], $0xffff  }
0xd0: {  	v35 =	vadd.s32 $0x600, v34  }
0xd1: {  	v36 =	vld [tilespmem:$0xB20];
	_ =	sdelay $0x2  }
0xd2: {  	[tilespmem:$0x1200] =	vst v0  }
0xd3: {  	v0 =	vld.idx.msk [tilespmem:v35+s2+$0x0], $0xffff  }
0xd4: {  	v37 =	vadd.s32 $0x600, v36  }
0xd5: {  	v38 =	vld [tilespmem:$0xB30];
	_ =	sdelay $0x2  }
0xd6: {  	[tilespmem:$0x1210] =	vst v0  }
0xd7: {  	v0 =	vld.idx.msk [tilespmem:v37+s2+$0x0], $0xffff  }
0xd8: {  	v39 =	vadd.s32 $0x600, v38  }
0xd9: {  	v40 =	vld [tilespmem:$0xB40];
	_ =	sdelay $0x2  }
0xda: {  	[tilespmem:$0x1220] =	vst v0  }
0xdb: {  	v0 =	vld.idx.msk [tilespmem:v39+s2+$0x0], $0xffff  }
0xdc: {  	v41 =	vadd.s32 $0x680, v40  }
0xdd: {  	v42 =	vld [tilespmem:$0xB50];
	_ =	sdelay $0x2  }
0xde: {  	[tilespmem:$0x1230] =	vst v0  }
0xdf: {  	v0 =	vld.idx.msk [tilespmem:v41+s2+$0x0], $0xffff  }
0xe0: {  	v43 =	vadd.s32 $0x680, v42  }
0xe1: {  	v44 =	vld [tilespmem:$0xB60];
	_ =	sdelay $0x2  }
0xe2: {  	[tilespmem:$0x1280] =	vst v0  }
0xe3: {  	v0 =	vld.idx.msk [tilespmem:v43+s2+$0x0], $0xffff  }
0xe4: {  	v45 =	vadd.s32 $0x680, v44  }
0xe5: {  	v46 =	vld [tilespmem:$0xB70];
	_ =	sdelay $0x2  }
0xe6: {  	[tilespmem:$0x1290] =	vst v0  }
0xe7: {  	v0 =	vld.idx.msk [tilespmem:v45+s2+$0x0], $0xffff  }
0xe8: {  	v47 =	vadd.s32 $0x680, v46  }
0xe9: {  	v48 =	vld [tilespmem:$0xB80];
	_ =	sdelay $0x2  }
0xea: {  	[tilespmem:$0x12A0] =	vst v0  }
0xeb: {  	v0 =	vld.idx.msk [tilespmem:v47+s2+$0x0], $0xffff  }
0xec: {  	v49 =	vadd.s32 $0x700, v48  }
0xed: {  	v50 =	vld [tilespmem:$0xB90];
	_ =	sdelay $0x2  }
0xee: {  	[tilespmem:$0x12B0] =	vst v0  }
0xef: {  	v0 =	vld.idx.msk [tilespmem:v49+s2+$0x0], $0xffff  }
0xf0: {  	v51 =	vadd.s32 $0x700, v50  }
0xf1: {  	v52 =	vld [tilespmem:$0xBA0];
	_ =	sdelay $0x2  }
0xf2: {  	[tilespmem:$0x1300] =	vst v0  }
0xf3: {  	v0 =	vld.idx.msk [tilespmem:v51+s2+$0x0], $0xffff  }
0xf4: {  	v53 =	vadd.s32 $0x700, v52  }
0xf5: {  	v54 =	vld [tilespmem:$0xBB0];
	_ =	sdelay $0x2  }
0xf6: {  	[tilespmem:$0x1310] =	vst v0  }
0xf7: {  	v0 =	vld.idx.msk [tilespmem:v53+s2+$0x0], $0xffff  }
0xf8: {  	v55 =	vadd.s32 $0x700, v54  }
0xf9: {  	v56 =	vld [tilespmem:$0xBC0];
	_ =	sdelay $0x2  }
0xfa: {  	[tilespmem:$0x1320] =	vst v0  }
0xfb: {  	v0 =	vld.idx.msk [tilespmem:v55+s2+$0x0], $0xffff  }
0xfc: {  	v57 =	vadd.s32 $0x780, v56  }
0xfd: {  	v58 =	vld [tilespmem:$0xBD0];
	_ =	sdelay $0x2  }
0xfe: {  	[tilespmem:$0x1330] =	vst v0  }
0xff: {  	v0 =	vld.idx.msk [tilespmem:v57+s2+$0x0], $0xffff  }
0x100: {  	v59 =	vadd.s32 $0x780, v58  }
0x101: {  	v60 =	vld [tilespmem:$0xBE0];
	_ =	sdelay $0x2  }
0x102: {  	[tilespmem:$0x1380] =	vst v0  }
0x103: {  	v0 =	vld.idx.msk [tilespmem:v59+s2+$0x0], $0xffff  }
0x104: {  	v61 =	vadd.s32 $0x780, v60  }
0x105: {  	v62 =	vld [tilespmem:$0xBF0];
	_ =	sdelay $0x2  }
0x106: {  	[tilespmem:$0x1390] =	vst v0  }
0x107: {  	v0 =	vld.idx.msk [tilespmem:v61+s2+$0x0], $0xffff  }
0x108: {  	v63 =	vadd.s32 $0x780, v62;
	_ =	sdelay $0x3  }
0x109: {  	[tilespmem:$0x13A0] =	vst v0  }
0x10a: {  	v0 =	vld.idx.msk [tilespmem:v63+s2+$0x0], $0xffff;
	_ =	sdelay $0x4  }
0x10b: {  	s30 =	simm.s32 $0x1000;
	s31 =	simm.s32 $0x3;
	s3 =	sadd.s32 $0x1680, s3;
	[tilespmem:$0x13B0] =	vst v0  }
0x10c: {  	[hbm4b:s3+s2] =	stream.linear.scatter [tilespmem:s30], [sflag:$0x3], $0x400, $0x38;
	[tilespmem:$0x1400] =	vst v63  }
0x10d: {  	_ =	swait.ge [sflag:s31], $0x400  }
0x10e: {  	[sflag:s31] =	ssyncset.done $0x0  }
0x10f: {  	[sflag:s31] =	ssyncadd.s32 $0xFFFFFC00  }
0x110: {  	_ =	swait.ge [sflag:s31], $0x400  }
0x111: {  	[sflag:s31] =	ssyncset.done $0x0  }
0x112: {  	[sflag:s31] =	ssyncadd.s32 $0xFFFFFC00  }
0x113: {  	_ =	sfence.sel $0x180000  }
0x114: {  	[bflag:$0x0] =	sbarrier.arrive $0xFFFF  }
0x115: {  	p0 =	sne.s32 s1, $0x0;
	_ =	strace $0x90000047  }
0x116: {  	s0 =	sadd.s32 @!p0 $0x100000, s0;
	[bflag:$0x2] =	sbarrier.arrive $0xFFFF  }
0x117: {  	[sflag:s0] =	ssyncadd.tile.s32 @!p0 $0x1;
	_ =	shalt  }
.Lfunc_end2:
_tile_overlayer_lowered:
.L_overlay_start_2:
0x118: {  	(tag) =	ssettag $0x2  }
0x119: {  	s0 =	rddreg [dreg:$0x0];
	s2 =	stileid.u32  }
0x11a: {  	s1 =	rddreg [dreg:$0x1];
	p0 =	sne.s32 s2, $0x0  }
0x11b: {  	s3 =	rddreg [dreg:$0x2];
	[bflag:$0x3] =	sbarrier.arrive $0xFFFF;
	s2 =	simm.s32 @!p0 $0x1C04  }
0x11c: {  	[timem:s3], [sflag:s2] =	dma.local @!p0 [hbm:s0], s1  }
0x11d: {  	s0 =	simm.s32 @!p0 $0x4  }
0x11e: {  	_ =	swait.ge @!p0 [sflag:s0], s1  }
0x11f: {  	s1 =	ssub.s32 @!p0 $0x0, s1;
	[sflag:s0] =	ssyncset.done @!p0 $0x0  }
0x120: {  	[sflag:s0] =	ssyncadd.s32 @!p0 s1  }
0x121: {  	[bflag:$0x3] =	sbarrier.arrive $0xFFFF  }
0x122: {  	_ =	shalt  }

</sc_bundles>
